<compile_context>
chip_gen: v7x
topology: tpu7x:2x2x1
jax: 0.10.2.dev20260603
libtpu: 0.0.44.dev20260713+nightly
codegen_flags: <defaults>
</compile_context>

<pallas_src>
import functools
import math

import jax
import jax.numpy as jnp
from jax import lax
from jax.experimental import pallas as pl
from jax.experimental.pallas import tpu as pltpu
from jax.experimental.pallas import tpu_sc as plsc

_MAX_RATIO = abs(math.log(16.0 / 1000.0))

_CHUNK = 640


def _decode_vecs(d_v, a_v, o_v, nvec):
    def step(i, _):
        s = i * 16
        a0 = a_v[0, pl.ds(s, 16)]
        a1 = a_v[1, pl.ds(s, 16)]
        a2 = a_v[2, pl.ds(s, 16)]
        a3 = a_v[3, pl.ds(s, 16)]
        dx = d_v[0, pl.ds(s, 16)]
        dy = d_v[1, pl.ds(s, 16)]
        dw = jnp.clip(d_v[2, pl.ds(s, 16)], -_MAX_RATIO, _MAX_RATIO)
        dh = jnp.clip(d_v[3, pl.ds(s, 16)], -_MAX_RATIO, _MAX_RATIO)
        w = a2 - a0
        h = a3 - a1
        ncx = a0 + 0.5 * w + dx * w
        ncy = a1 + 0.5 * h + dy * h
        hnw = 0.5 * (w * jnp.exp(dw))
        hnh = 0.5 * (h * jnp.exp(dh))
        one = jnp.float32(1.0)
        zero = jnp.float32(0.0)
        o_v[0, pl.ds(s, 16)] = jnp.clip(ncx - hnw, zero, one)
        o_v[1, pl.ds(s, 16)] = jnp.clip(ncy - hnh, zero, one)
        o_v[2, pl.ds(s, 16)] = jnp.clip(ncx + hnw, zero, one)
        o_v[3, pl.ds(s, 16)] = jnp.clip(ncy + hnh, zero, one)
        return ()

    lax.fori_loop(0, nvec, step, ())


def _make_sc_decode(n):
    mesh = plsc.VectorSubcoreMesh(core_axis_name="c", subcore_axis_name="s")
    n_main = n - n % _CHUNK
    n_last = n_main + 128
    n_pad = n - n % 128 + 128

    @functools.partial(
        pl.kernel,
        mesh=mesh,
        out_type=jax.ShapeDtypeStruct((4, n_pad), jnp.float32),
        scratch_types=[
            pltpu.VMEM((4, _CHUNK), jnp.float32),
            pltpu.VMEM((4, _CHUNK), jnp.float32),
            pltpu.VMEM((4, _CHUNK), jnp.float32),
        ],
    )
    def sc_decode(d_hbm, a_hbm, td_hbm, ta_hbm, o_hbm, d_v, a_v, o_v):
        wid = lax.axis_index("s") * 2 + lax.axis_index("c")

        @pl.when(wid < n_main // _CHUNK)
        def _main():
            base = wid * _CHUNK
            pltpu.sync_copy(d_hbm.at[:, pl.ds(base, _CHUNK)], d_v)
            pltpu.sync_copy(a_hbm.at[:, pl.ds(base, _CHUNK)], a_v)
            _decode_vecs(d_v, a_v, o_v, _CHUNK // 16)
            pltpu.sync_copy(o_v, o_hbm.at[:, pl.ds(base, _CHUNK)])

        @pl.when(wid == 31)
        def _last():
            pltpu.sync_copy(d_hbm.at[:, pl.ds(n_main, 128)], d_v.at[:, pl.ds(0, 128)])
            pltpu.sync_copy(a_hbm.at[:, pl.ds(n_main, 128)], a_v.at[:, pl.ds(0, 128)])
            pltpu.sync_copy(td_hbm, d_v.at[:, pl.ds(128, 128)])
            pltpu.sync_copy(ta_hbm, a_v.at[:, pl.ds(128, 128)])
            _decode_vecs(d_v, a_v, o_v, 16)
            pltpu.sync_copy(o_v.at[:, pl.ds(0, 256)], o_hbm.at[:, pl.ds(n_main, 256)])

    return sc_decode


def kernel(logits, regress, anchors):
    n = regress.shape[1]
    dt = jnp.transpose(regress[0])
    at = jnp.transpose(anchors)
    n_last = n - n % _CHUNK + 128
    pad = (0, n_last + 128 - n)
    td = jnp.pad(dt[:, n_last:], ((0, 0), pad))
    ta = jnp.pad(at[:, n_last:], ((0, 0), pad))
    out = _make_sc_decode(n)(dt, at, td, ta)
    boxes_t = out[:, :n]
    return (logits, jnp.transpose(boxes_t)[None])

# --- scband reference (transcript-rebuilt; emitter-appended) ---
"""Pipeline reference for scband-filter-detection-65085934403666 (READ-ONLY COPY).

The authoritative reference and input builder live on the scoring server;
editing this copy changes nothing except your own understanding.
"""

import jax, jax.numpy as jnp
import numpy as np

MEAN = jnp.asarray([0.0, 0.0, 0.0, 0.0], dtype=jnp.float32)
STD = jnp.asarray([1.0, 1.0, 1.0, 1.0], dtype=jnp.float32)
CLIP_RATIO = 16.0 / 1000.0


def delta2bbox(anchors, deltas, mean=MEAN, std=STD, clip_ratio=CLIP_RATIO):
    # standard delta decoding: deltas de-normalized by (mean, std), anchors in (x1, y1, x2, y2)
    d = deltas * std + mean
    dx = d[..., 0]
    dy = d[..., 1]
    dw = d[..., 2]
    dh = d[..., 3]
    max_ratio = jnp.abs(jnp.log(jnp.asarray(clip_ratio, dtype=deltas.dtype)))
    dw = jnp.clip(dw, -max_ratio, max_ratio)
    dh = jnp.clip(dh, -max_ratio, max_ratio)
    w = anchors[..., 2] - anchors[..., 0]
    h = anchors[..., 3] - anchors[..., 1]
    cx = anchors[..., 0] + 0.5 * w
    cy = anchors[..., 1] + 0.5 * h
    ncx = cx + dx * w
    ncy = cy + dy * h
    nw = w * jnp.exp(dw)
    nh = h * jnp.exp(dh)
    x1 = ncx - 0.5 * nw
    y1 = ncy - 0.5 * nh
    x2 = ncx + 0.5 * nw
    y2 = ncy + 0.5 * nh
    return jnp.stack([x1, y1, x2, y2], axis=-1)


def setup_inputs(seed: int = 0) -> dict:
    key = jax.random.key(seed)
    k1, k2, k3 = jax.random.split(key, 3)
    B, N, C = 1, 20000, 80
    logits = jax.random.uniform(k1, (B, N, C), dtype=jnp.float32)
    regress = jax.random.normal(k2, (B, N, 4), dtype=jnp.float32)
    anchors = jax.random.uniform(k3, (N, 4), dtype=jnp.float32)
    return {"logits": logits, "regress": regress, "anchors": anchors}


def reference(logits, regress, anchors):
    # FilterDetection.call with tensorrt=True, valid=False, confs=None:
    #   regress = delta2bbox(anchors, regress, mean, std, clip_ratio)
    #   regress = clip(regress, 0, 1)
    #   return (logits, regress)
    boxes = delta2bbox(anchors, regress, MEAN, STD, CLIP_RATIO)
    boxes = jnp.clip(boxes, 0.0, 1.0)
    return (logits, boxes)

if __name__ == "__main__":
    import jax
    _d = setup_inputs()
    print(jax.jit(kernel)(*tuple(_d.values())))

</pallas_src>

<mosaic_0001>
#map = affine_map<(d0, d1) -> (0, 0)>
module attributes {stable_mosaic.version = 14 : i64} {
  func.func @sc_decode(%arg0: i32, %arg1: i32, %arg2: memref<4x20000xf32, #tpu.memory_space<hbm>>, %arg3: memref<4x20000xf32, #tpu.memory_space<hbm>>, %arg4: memref<4x128xf32, #tpu.memory_space<hbm>>, %arg5: memref<4x128xf32, #tpu.memory_space<hbm>>, %arg6: memref<4x20096xf32, #tpu.memory_space<hbm>>, %arg7: memref<4x640xf32, #tpu.memory_space<vmem>>, %arg8: memref<4x640xf32, #tpu.memory_space<vmem>>, %arg9: memref<4x640xf32, #tpu.memory_space<vmem>>) attributes {dimension_semantics = [#tpu.dimension_semantics<core_parallel>, #tpu.dimension_semantics<subcore_parallel>], iteration_bounds = array<i64: 2, 16>, scalar_prefetch = 0 : i64, scratch_operands = 3 : i64, tpu.core_type = #tpu.core_type<sc_vector_subcore>, window_params = [{transform_indices = #map}, {transform_indices = #map}, {transform_indices = #map}, {transform_indices = #map}, {transform_indices = #map}]} {
    %mul3A = arith.constant 2 : i32
    %mul3A_0 = arith.muli %arg1, %mul3A : i32
    %add3A = arith.addi %mul3A_0, %arg0 : i32
    %lt3A = arith.constant 31 : i32
    %lt3A_1 = arith.cmpi slt, %add3A, %lt3A : i32
    %convert_element_type3A = arith.extui %lt3A_1 : i1 to i32
    %cond3A = arith.constant 0 : i32
    %cond3A_2 = arith.cmpi ne, %convert_element_type3A, %cond3A : i32
    scf.if %cond3A_2 {
      %mul3A_7 = arith.constant 640 : i32
      %mul3A_8 = arith.muli %add3A, %mul3A_7 : i32
      "tpu.region"() ({
        %run_scoped3A = tpu.sem_alloc : memref<!tpu.dma_semaphore, #tpu.memory_space<semaphore_mem>>
        %dma_start3A = arith.constant 0 : i32
        %dma_start3A_13 = tpu.memref_slice %arg2[%dma_start3A, %mul3A_8] : memref<4x20000xf32, #tpu.memory_space<hbm>> -> memref<4x640xf32, #tpu.memory_space<hbm>>
        %dma_start3A_14 = arith.constant 0 : i32
        %dma_start3A_15 = tpu.memref_slice %arg2[%dma_start3A_14, %mul3A_8] : memref<4x20000xf32, #tpu.memory_space<hbm>> -> memref<4x640xf32, #tpu.memory_space<hbm>>
        tpu.enqueue_dma source(%dma_start3A_15 : memref<4x640xf32, #tpu.memory_space<hbm>>) target(%arg7 : memref<4x640xf32, #tpu.memory_space<vmem>>) target_semaphore(%run_scoped3A : memref<!tpu.dma_semaphore, #tpu.memory_space<semaphore_mem>>)
        %dma_wait3A = arith.constant 0 : i32
        %dma_wait3A_16 = tpu.memref_slice %arg2[%dma_wait3A, %mul3A_8] : memref<4x20000xf32, #tpu.memory_space<hbm>> -> memref<4x640xf32, #tpu.memory_space<hbm>>
        %dma_wait3A_17 = arith.constant 0 : i32
        %dma_wait3A_18 = tpu.memref_slice %arg2[%dma_wait3A_17, %mul3A_8] : memref<4x20000xf32, #tpu.memory_space<hbm>> -> memref<4x640xf32, #tpu.memory_space<hbm>>
        tpu.wait_dma2 semaphore(%run_scoped3A : memref<!tpu.dma_semaphore, #tpu.memory_space<semaphore_mem>>) src(%dma_wait3A_18 : memref<4x640xf32, #tpu.memory_space<hbm>>) dst(%arg7 : memref<4x640xf32, #tpu.memory_space<vmem>>)
        tpu.yield
      }) : () -> ()
      "tpu.region"() ({
        %run_scoped3A = tpu.sem_alloc : memref<!tpu.dma_semaphore, #tpu.memory_space<semaphore_mem>>
        %dma_start3A = arith.constant 0 : i32
        %dma_start3A_13 = tpu.memref_slice %arg3[%dma_start3A, %mul3A_8] : memref<4x20000xf32, #tpu.memory_space<hbm>> -> memref<4x640xf32, #tpu.memory_space<hbm>>
        %dma_start3A_14 = arith.constant 0 : i32
        %dma_start3A_15 = tpu.memref_slice %arg3[%dma_start3A_14, %mul3A_8] : memref<4x20000xf32, #tpu.memory_space<hbm>> -> memref<4x640xf32, #tpu.memory_space<hbm>>
        tpu.enqueue_dma source(%dma_start3A_15 : memref<4x640xf32, #tpu.memory_space<hbm>>) target(%arg8 : memref<4x640xf32, #tpu.memory_space<vmem>>) target_semaphore(%run_scoped3A : memref<!tpu.dma_semaphore, #tpu.memory_space<semaphore_mem>>)
        %dma_wait3A = arith.constant 0 : i32
        %dma_wait3A_16 = tpu.memref_slice %arg3[%dma_wait3A, %mul3A_8] : memref<4x20000xf32, #tpu.memory_space<hbm>> -> memref<4x640xf32, #tpu.memory_space<hbm>>
        %dma_wait3A_17 = arith.constant 0 : i32
        %dma_wait3A_18 = tpu.memref_slice %arg3[%dma_wait3A_17, %mul3A_8] : memref<4x20000xf32, #tpu.memory_space<hbm>> -> memref<4x640xf32, #tpu.memory_space<hbm>>
        tpu.wait_dma2 semaphore(%run_scoped3A : memref<!tpu.dma_semaphore, #tpu.memory_space<semaphore_mem>>) src(%dma_wait3A_18 : memref<4x640xf32, #tpu.memory_space<hbm>>) dst(%arg8 : memref<4x640xf32, #tpu.memory_space<vmem>>)
        tpu.yield
      }) : () -> ()
      %scan3A = arith.constant 0 : i32
      %scan3A_9 = arith.constant 40 : i32
      %scan3A_10 = arith.addi %scan3A, %scan3A_9 : i32
      %scan3A_11 = arith.constant 1 : i32
      scf.for %scan3A_13 = %scan3A to %scan3A_10 step %scan3A_11  : i32 {
        %mul3A_14 = arith.constant 16 : i32
        %mul3A_15 = arith.muli %scan3A_13, %mul3A_14 : i32
        %get3A = arith.constant 0 : i32
        %get3A_16 = arith.index_cast %get3A : i32 to index
        %get3A_17 = arith.index_cast %mul3A_15 : i32 to index
        %get3A_18 = tpu.vector_load %arg8[%get3A_16, %get3A_17] {strides = array<i32>} : memref<4x640xf32, #tpu.memory_space<vmem>>, vector<1x16xf32>,
        %get3A_19 = vector.shape_cast %get3A_18 : vector<1x16xf32> to vector<16xf32>
        %get3A_20 = arith.constant 1 : i32
        %get3A_21 = arith.index_cast %get3A_20 : i32 to index
        %get3A_22 = arith.index_cast %mul3A_15 : i32 to index
        %get3A_23 = tpu.vector_load %arg8[%get3A_21, %get3A_22] {strides = array<i32>} : memref<4x640xf32, #tpu.memory_space<vmem>>, vector<1x16xf32>,
        %get3A_24 = vector.shape_cast %get3A_23 : vector<1x16xf32> to vector<16xf32>
        %get3A_25 = arith.constant 2 : i32
        %get3A_26 = arith.index_cast %get3A_25 : i32 to index
        %get3A_27 = arith.index_cast %mul3A_15 : i32 to index
        %get3A_28 = tpu.vector_load %arg8[%get3A_26, %get3A_27] {strides = array<i32>} : memref<4x640xf32, #tpu.memory_space<vmem>>, vector<1x16xf32>,
        %get3A_29 = vector.shape_cast %get3A_28 : vector<1x16xf32> to vector<16xf32>
        %get3A_30 = arith.constant 3 : i32
        %get3A_31 = arith.index_cast %get3A_30 : i32 to index
        %get3A_32 = arith.index_cast %mul3A_15 : i32 to index
        %get3A_33 = tpu.vector_load %arg8[%get3A_31, %get3A_32] {strides = array<i32>} : memref<4x640xf32, #tpu.memory_space<vmem>>, vector<1x16xf32>,
        %get3A_34 = vector.shape_cast %get3A_33 : vector<1x16xf32> to vector<16xf32>
        %get3A_35 = arith.constant 0 : i32
        %get3A_36 = arith.index_cast %get3A_35 : i32 to index
        %get3A_37 = arith.index_cast %mul3A_15 : i32 to index
        %get3A_38 = tpu.vector_load %arg7[%get3A_36, %get3A_37] {strides = array<i32>} : memref<4x640xf32, #tpu.memory_space<vmem>>, vector<1x16xf32>,
        %get3A_39 = vector.shape_cast %get3A_38 : vector<1x16xf32> to vector<16xf32>
        %get3A_40 = arith.constant 1 : i32
        %get3A_41 = arith.index_cast %get3A_40 : i32 to index
        %get3A_42 = arith.index_cast %mul3A_15 : i32 to index
        %get3A_43 = tpu.vector_load %arg7[%get3A_41, %get3A_42] {strides = array<i32>} : memref<4x640xf32, #tpu.memory_space<vmem>>, vector<1x16xf32>,
        %get3A_44 = vector.shape_cast %get3A_43 : vector<1x16xf32> to vector<16xf32>
        %get3A_45 = arith.constant 2 : i32
        %get3A_46 = arith.index_cast %get3A_45 : i32 to index
        %get3A_47 = arith.index_cast %mul3A_15 : i32 to index
        %get3A_48 = tpu.vector_load %arg7[%get3A_46, %get3A_47] {strides = array<i32>} : memref<4x640xf32, #tpu.memory_space<vmem>>, vector<1x16xf32>,
        %get3A_49 = vector.shape_cast %get3A_48 : vector<1x16xf32> to vector<16xf32>
        %jit3A = arith.constant -4.13516665 : f32
        %jit3A_50 = arith.constant 4.13516665 : f32
        %max3A = vector.broadcast %jit3A : f32 to vector<16xf32>
        %max3A_51 = arith.maximumf %max3A, %get3A_49 : vector<16xf32>
        %min3A = vector.broadcast %jit3A_50 : f32 to vector<16xf32>
        %min3A_52 = arith.minimumf %min3A, %max3A_51 : vector<16xf32>
        %get3A_53 = arith.constant 3 : i32
        %get3A_54 = arith.index_cast %get3A_53 : i32 to index
        %get3A_55 = arith.index_cast %mul3A_15 : i32 to index
        %get3A_56 = tpu.vector_load %arg7[%get3A_54, %get3A_55] {strides = array<i32>} : memref<4x640xf32, #tpu.memory_space<vmem>>, vector<1x16xf32>,
        %get3A_57 = vector.shape_cast %get3A_56 : vector<1x16xf32> to vector<16xf32>
        %jit3A_58 = arith.constant -4.13516665 : f32
        %jit3A_59 = arith.constant 4.13516665 : f32
        %max3A_60 = vector.broadcast %jit3A_58 : f32 to vector<16xf32>
        %max3A_61 = arith.maximumf %max3A_60, %get3A_57 : vector<16xf32>
        %min3A_62 = vector.broadcast %jit3A_59 : f32 to vector<16xf32>
        %min3A_63 = arith.minimumf %min3A_62, %max3A_61 : vector<16xf32>
        %sub3A = arith.subf %get3A_29, %get3A_19 : vector<16xf32>
        %sub3A_64 = arith.subf %get3A_34, %get3A_24 : vector<16xf32>
        %mul3A_65 = arith.constant 5.000000e-01 : f32
        %mul3A_66 = vector.broadcast %mul3A_65 : f32 to vector<16xf32>
        %mul3A_67 = arith.mulf %mul3A_66, %sub3A : vector<16xf32>
        %add3A_68 = arith.addf %get3A_19, %mul3A_67 : vector<16xf32>
        %mul3A_69 = arith.mulf %get3A_39, %sub3A : vector<16xf32>
        %add3A_70 = arith.addf %add3A_68, %mul3A_69 : vector<16xf32>
        %mul3A_71 = arith.constant 5.000000e-01 : f32
        %mul3A_72 = vector.broadcast %mul3A_71 : f32 to vector<16xf32>
        %mul3A_73 = arith.mulf %mul3A_72, %sub3A_64 : vector<16xf32>
        %add3A_74 = arith.addf %get3A_24, %mul3A_73 : vector<16xf32>
        %mul3A_75 = arith.mulf %get3A_44, %sub3A_64 : vector<16xf32>
        %add3A_76 = arith.addf %add3A_74, %mul3A_75 : vector<16xf32>
        %exp3A = math.exp %min3A_52 : vector<16xf32>
        %mul3A_77 = arith.mulf %sub3A, %exp3A : vector<16xf32>
        %mul3A_78 = arith.constant 5.000000e-01 : f32
        %mul3A_79 = vector.broadcast %mul3A_78 : f32 to vector<16xf32>
        %mul3A_80 = arith.mulf %mul3A_79, %mul3A_77 : vector<16xf32>
        %exp3A_81 = math.exp %min3A_63 : vector<16xf32>
        %mul3A_82 = arith.mulf %sub3A_64, %exp3A_81 : vector<16xf32>
        %mul3A_83 = arith.constant 5.000000e-01 : f32
        %mul3A_84 = vector.broadcast %mul3A_83 : f32 to vector<16xf32>
        %mul3A_85 = arith.mulf %mul3A_84, %mul3A_82 : vector<16xf32>
        %sub3A_86 = arith.subf %add3A_70, %mul3A_80 : vector<16xf32>
        %jit3A_87 = arith.constant 0.000000e+00 : f32
        %jit3A_88 = arith.constant 1.000000e+00 : f32
        %max3A_89 = vector.broadcast %jit3A_87 : f32 to vector<16xf32>
        %max3A_90 = arith.maximumf %max3A_89, %sub3A_86 : vector<16xf32>
        %min3A_91 = vector.broadcast %jit3A_88 : f32 to vector<16xf32>
        %min3A_92 = arith.minimumf %min3A_91, %max3A_90 : vector<16xf32>
        %swap3A = arith.constant 0 : i32
        %swap3A_93 = arith.index_cast %swap3A : i32 to index
        %swap3A_94 = arith.index_cast %mul3A_15 : i32 to index
        %swap3A_95 = tpu.vector_load %arg9[%swap3A_93, %swap3A_94] {strides = array<i32>} : memref<4x640xf32, #tpu.memory_space<vmem>>, vector<1x16xf32>,
        %swap3A_96 = vector.shape_cast %swap3A_95 : vector<1x16xf32> to vector<16xf32>
        %swap3A_97 = vector.shape_cast %min3A_92 : vector<16xf32> to vector<1x16xf32>
        tpu.vector_store %arg9[%swap3A_93, %swap3A_94], %swap3A_97 {strides = array<i32>} : memref<4x640xf32, #tpu.memory_space<vmem>>, vector<1x16xf32>,
        %sub3A_98 = arith.subf %add3A_76, %mul3A_85 : vector<16xf32>
        %jit3A_99 = arith.constant 0.000000e+00 : f32
        %jit3A_100 = arith.constant 1.000000e+00 : f32
        %max3A_101 = vector.broadcast %jit3A_99 : f32 to vector<16xf32>
        %max3A_102 = arith.maximumf %max3A_101, %sub3A_98 : vector<16xf32>
        %min3A_103 = vector.broadcast %jit3A_100 : f32 to vector<16xf32>
        %min3A_104 = arith.minimumf %min3A_103, %max3A_102 : vector<16xf32>
        %swap3A_105 = arith.constant 1 : i32
        %swap3A_106 = arith.index_cast %swap3A_105 : i32 to index
        %swap3A_107 = arith.index_cast %mul3A_15 : i32 to index
        %swap3A_108 = tpu.vector_load %arg9[%swap3A_106, %swap3A_107] {strides = array<i32>} : memref<4x640xf32, #tpu.memory_space<vmem>>, vector<1x16xf32>,
        %swap3A_109 = vector.shape_cast %swap3A_108 : vector<1x16xf32> to vector<16xf32>
        %swap3A_110 = vector.shape_cast %min3A_104 : vector<16xf32> to vector<1x16xf32>
        tpu.vector_store %arg9[%swap3A_106, %swap3A_107], %swap3A_110 {strides = array<i32>} : memref<4x640xf32, #tpu.memory_space<vmem>>, vector<1x16xf32>,
        %add3A_111 = arith.addf %add3A_70, %mul3A_80 : vector<16xf32>
        %jit3A_112 = arith.constant 0.000000e+00 : f32
        %jit3A_113 = arith.constant 1.000000e+00 : f32
        %max3A_114 = vector.broadcast %jit3A_112 : f32 to vector<16xf32>
        %max3A_115 = arith.maximumf %max3A_114, %add3A_111 : vector<16xf32>
        %min3A_116 = vector.broadcast %jit3A_113 : f32 to vector<16xf32>
        %min3A_117 = arith.minimumf %min3A_116, %max3A_115 : vector<16xf32>
        %swap3A_118 = arith.constant 2 : i32
        %swap3A_119 = arith.index_cast %swap3A_118 : i32 to index
        %swap3A_120 = arith.index_cast %mul3A_15 : i32 to index
        %swap3A_121 = tpu.vector_load %arg9[%swap3A_119, %swap3A_120] {strides = array<i32>} : memref<4x640xf32, #tpu.memory_space<vmem>>, vector<1x16xf32>,
        %swap3A_122 = vector.shape_cast %swap3A_121 : vector<1x16xf32> to vector<16xf32>
        %swap3A_123 = vector.shape_cast %min3A_117 : vector<16xf32> to vector<1x16xf32>
        tpu.vector_store %arg9[%swap3A_119, %swap3A_120], %swap3A_123 {strides = array<i32>} : memref<4x640xf32, #tpu.memory_space<vmem>>, vector<1x16xf32>,
        %add3A_124 = arith.addf %add3A_76, %mul3A_85 : vector<16xf32>
        %jit3A_125 = arith.constant 0.000000e+00 : f32
        %jit3A_126 = arith.constant 1.000000e+00 : f32
        %max3A_127 = vector.broadcast %jit3A_125 : f32 to vector<16xf32>
        %max3A_128 = arith.maximumf %max3A_127, %add3A_124 : vector<16xf32>
        %min3A_129 = vector.broadcast %jit3A_126 : f32 to vector<16xf32>
        %min3A_130 = arith.minimumf %min3A_129, %max3A_128 : vector<16xf32>
        %swap3A_131 = arith.constant 3 : i32
        %swap3A_132 = arith.index_cast %swap3A_131 : i32 to index
        %swap3A_133 = arith.index_cast %mul3A_15 : i32 to index
        %swap3A_134 = tpu.vector_load %arg9[%swap3A_132, %swap3A_133] {strides = array<i32>} : memref<4x640xf32, #tpu.memory_space<vmem>>, vector<1x16xf32>,
        %swap3A_135 = vector.shape_cast %swap3A_134 : vector<1x16xf32> to vector<16xf32>
        %swap3A_136 = vector.shape_cast %min3A_130 : vector<16xf32> to vector<1x16xf32>
        tpu.vector_store %arg9[%swap3A_132, %swap3A_133], %swap3A_136 {strides = array<i32>} : memref<4x640xf32, #tpu.memory_space<vmem>>, vector<1x16xf32>,
      }
      %scan3A_12 = arith.constant 40 : i32
      "tpu.region"() ({
        %run_scoped3A = tpu.sem_alloc : memref<!tpu.dma_semaphore, #tpu.memory_space<semaphore_mem>>
        %dma_start3A = arith.constant 0 : i32
        %dma_start3A_13 = tpu.memref_slice %arg6[%dma_start3A, %mul3A_8] : memref<4x20096xf32, #tpu.memory_space<hbm>> -> memref<4x640xf32, #tpu.memory_space<hbm>>
        %dma_start3A_14 = arith.constant 0 : i32
        %dma_start3A_15 = tpu.memref_slice %arg6[%dma_start3A_14, %mul3A_8] : memref<4x20096xf32, #tpu.memory_space<hbm>> -> memref<4x640xf32, #tpu.memory_space<hbm>>
        tpu.enqueue_dma source(%arg9 : memref<4x640xf32, #tpu.memory_space<vmem>>) target(%dma_start3A_15 : memref<4x640xf32, #tpu.memory_space<hbm>>) target_semaphore(%run_scoped3A : memref<!tpu.dma_semaphore, #tpu.memory_space<semaphore_mem>>)
        %dma_wait3A = arith.constant 0 : i32
        %dma_wait3A_16 = tpu.memref_slice %arg6[%dma_wait3A, %mul3A_8] : memref<4x20096xf32, #tpu.memory_space<hbm>> -> memref<4x640xf32, #tpu.memory_space<hbm>>
        %dma_wait3A_17 = arith.constant 0 : i32
        %dma_wait3A_18 = tpu.memref_slice %arg6[%dma_wait3A_17, %mul3A_8] : memref<4x20096xf32, #tpu.memory_space<hbm>> -> memref<4x640xf32, #tpu.memory_space<hbm>>
        tpu.wait_dma2 semaphore(%run_scoped3A : memref<!tpu.dma_semaphore, #tpu.memory_space<semaphore_mem>>) src(%arg9 : memref<4x640xf32, #tpu.memory_space<vmem>>) dst(%dma_wait3A_18 : memref<4x640xf32, #tpu.memory_space<hbm>>)
        tpu.yield
      }) : () -> ()
    } else {
    }
    %eq3A = arith.constant 31 : i32
    %eq3A_3 = arith.cmpi eq, %add3A, %eq3A : i32
    %convert_element_type3A_4 = arith.extui %eq3A_3 : i1 to i32
    %cond3A_5 = arith.constant 0 : i32
    %cond3A_6 = arith.cmpi ne, %convert_element_type3A_4, %cond3A_5 : i32
    scf.if %cond3A_6 {
      "tpu.region"() ({
        %run_scoped3A = tpu.sem_alloc : memref<!tpu.dma_semaphore, #tpu.memory_space<semaphore_mem>>
        %dma_start3A = arith.constant 0 : i32
        %dma_start3A_11 = arith.constant 0 : i32
        %dma_start3A_12 = tpu.memref_slice %arg7[%dma_start3A, %dma_start3A_11] : memref<4x640xf32, #tpu.memory_space<vmem>> -> memref<4x128xf32, #tpu.memory_space<vmem>>
        %dma_start3A_13 = arith.constant 0 : i32
        %dma_start3A_14 = arith.constant 19840 : i32
        %dma_start3A_15 = tpu.memref_slice %arg2[%dma_start3A_13, %dma_start3A_14] : memref<4x20000xf32, #tpu.memory_space<hbm>> -> memref<4x128xf32, #tpu.memory_space<hbm>>
        %dma_start3A_16 = arith.constant 0 : i32
        %dma_start3A_17 = arith.constant 0 : i32
        %dma_start3A_18 = tpu.memref_slice %arg7[%dma_start3A_16, %dma_start3A_17] : memref<4x640xf32, #tpu.memory_space<vmem>> -> memref<4x128xf32, #tpu.memory_space<vmem>>
        %dma_start3A_19 = arith.constant 0 : i32
        %dma_start3A_20 = arith.constant 19840 : i32
        %dma_start3A_21 = tpu.memref_slice %arg2[%dma_start3A_19, %dma_start3A_20] : memref<4x20000xf32, #tpu.memory_space<hbm>> -> memref<4x128xf32, #tpu.memory_space<hbm>>
        tpu.enqueue_dma source(%dma_start3A_21 : memref<4x128xf32, #tpu.memory_space<hbm>>) target(%dma_start3A_18 : memref<4x128xf32, #tpu.memory_space<vmem>>) target_semaphore(%run_scoped3A : memref<!tpu.dma_semaphore, #tpu.memory_space<semaphore_mem>>)
        %dma_wait3A = arith.constant 0 : i32
        %dma_wait3A_22 = arith.constant 0 : i32
        %dma_wait3A_23 = tpu.memref_slice %arg7[%dma_wait3A, %dma_wait3A_22] : memref<4x640xf32, #tpu.memory_space<vmem>> -> memref<4x128xf32, #tpu.memory_space<vmem>>
        %dma_wait3A_24 = arith.constant 0 : i32
        %dma_wait3A_25 = arith.constant 19840 : i32
        %dma_wait3A_26 = tpu.memref_slice %arg2[%dma_wait3A_24, %dma_wait3A_25] : memref<4x20000xf32, #tpu.memory_space<hbm>> -> memref<4x128xf32, #tpu.memory_space<hbm>>
        %dma_wait3A_27 = arith.constant 0 : i32
        %dma_wait3A_28 = arith.constant 0 : i32
        %dma_wait3A_29 = tpu.memref_slice %arg7[%dma_wait3A_27, %dma_wait3A_28] : memref<4x640xf32, #tpu.memory_space<vmem>> -> memref<4x128xf32, #tpu.memory_space<vmem>>
        %dma_wait3A_30 = arith.constant 0 : i32
        %dma_wait3A_31 = arith.constant 19840 : i32
        %dma_wait3A_32 = tpu.memref_slice %arg2[%dma_wait3A_30, %dma_wait3A_31] : memref<4x20000xf32, #tpu.memory_space<hbm>> -> memref<4x128xf32, #tpu.memory_space<hbm>>
        tpu.wait_dma2 semaphore(%run_scoped3A : memref<!tpu.dma_semaphore, #tpu.memory_space<semaphore_mem>>) src(%dma_wait3A_32 : memref<4x128xf32, #tpu.memory_space<hbm>>) dst(%dma_wait3A_29 : memref<4x128xf32, #tpu.memory_space<vmem>>)
        tpu.yield
      }) : () -> ()
      "tpu.region"() ({
        %run_scoped3A = tpu.sem_alloc : memref<!tpu.dma_semaphore, #tpu.memory_space<semaphore_mem>>
        %dma_start3A = arith.constant 0 : i32
        %dma_start3A_11 = arith.constant 0 : i32
        %dma_start3A_12 = tpu.memref_slice %arg8[%dma_start3A, %dma_start3A_11] : memref<4x640xf32, #tpu.memory_space<vmem>> -> memref<4x128xf32, #tpu.memory_space<vmem>>
        %dma_start3A_13 = arith.constant 0 : i32
        %dma_start3A_14 = arith.constant 19840 : i32
        %dma_start3A_15 = tpu.memref_slice %arg3[%dma_start3A_13, %dma_start3A_14] : memref<4x20000xf32, #tpu.memory_space<hbm>> -> memref<4x128xf32, #tpu.memory_space<hbm>>
        %dma_start3A_16 = arith.constant 0 : i32
        %dma_start3A_17 = arith.constant 0 : i32
        %dma_start3A_18 = tpu.memref_slice %arg8[%dma_start3A_16, %dma_start3A_17] : memref<4x640xf32, #tpu.memory_space<vmem>> -> memref<4x128xf32, #tpu.memory_space<vmem>>
        %dma_start3A_19 = arith.constant 0 : i32
        %dma_start3A_20 = arith.constant 19840 : i32
        %dma_start3A_21 = tpu.memref_slice %arg3[%dma_start3A_19, %dma_start3A_20] : memref<4x20000xf32, #tpu.memory_space<hbm>> -> memref<4x128xf32, #tpu.memory_space<hbm>>
        tpu.enqueue_dma source(%dma_start3A_21 : memref<4x128xf32, #tpu.memory_space<hbm>>) target(%dma_start3A_18 : memref<4x128xf32, #tpu.memory_space<vmem>>) target_semaphore(%run_scoped3A : memref<!tpu.dma_semaphore, #tpu.memory_space<semaphore_mem>>)
        %dma_wait3A = arith.constant 0 : i32
        %dma_wait3A_22 = arith.constant 0 : i32
        %dma_wait3A_23 = tpu.memref_slice %arg8[%dma_wait3A, %dma_wait3A_22] : memref<4x640xf32, #tpu.memory_space<vmem>> -> memref<4x128xf32, #tpu.memory_space<vmem>>
        %dma_wait3A_24 = arith.constant 0 : i32
        %dma_wait3A_25 = arith.constant 19840 : i32
        %dma_wait3A_26 = tpu.memref_slice %arg3[%dma_wait3A_24, %dma_wait3A_25] : memref<4x20000xf32, #tpu.memory_space<hbm>> -> memref<4x128xf32, #tpu.memory_space<hbm>>
        %dma_wait3A_27 = arith.constant 0 : i32
        %dma_wait3A_28 = arith.constant 0 : i32
        %dma_wait3A_29 = tpu.memref_slice %arg8[%dma_wait3A_27, %dma_wait3A_28] : memref<4x640xf32, #tpu.memory_space<vmem>> -> memref<4x128xf32, #tpu.memory_space<vmem>>
        %dma_wait3A_30 = arith.constant 0 : i32
        %dma_wait3A_31 = arith.constant 19840 : i32
        %dma_wait3A_32 = tpu.memref_slice %arg3[%dma_wait3A_30, %dma_wait3A_31] : memref<4x20000xf32, #tpu.memory_space<hbm>> -> memref<4x128xf32, #tpu.memory_space<hbm>>
        tpu.wait_dma2 semaphore(%run_scoped3A : memref<!tpu.dma_semaphore, #tpu.memory_space<semaphore_mem>>) src(%dma_wait3A_32 : memref<4x128xf32, #tpu.memory_space<hbm>>) dst(%dma_wait3A_29 : memref<4x128xf32, #tpu.memory_space<vmem>>)
        tpu.yield
      }) : () -> ()
      "tpu.region"() ({
        %run_scoped3A = tpu.sem_alloc : memref<!tpu.dma_semaphore, #tpu.memory_space<semaphore_mem>>
        %dma_start3A = arith.constant 0 : i32
        %dma_start3A_11 = arith.constant 128 : i32
        %dma_start3A_12 = tpu.memref_slice %arg7[%dma_start3A, %dma_start3A_11] : memref<4x640xf32, #tpu.memory_space<vmem>> -> memref<4x128xf32, #tpu.memory_space<vmem>>
        %dma_start3A_13 = arith.constant 0 : i32
        %dma_start3A_14 = arith.constant 128 : i32
        %dma_start3A_15 = tpu.memref_slice %arg7[%dma_start3A_13, %dma_start3A_14] : memref<4x640xf32, #tpu.memory_space<vmem>> -> memref<4x128xf32, #tpu.memory_space<vmem>>
        tpu.enqueue_dma source(%arg4 : memref<4x128xf32, #tpu.memory_space<hbm>>) target(%dma_start3A_15 : memref<4x128xf32, #tpu.memory_space<vmem>>) target_semaphore(%run_scoped3A : memref<!tpu.dma_semaphore, #tpu.memory_space<semaphore_mem>>)
        %dma_wait3A = arith.constant 0 : i32
        %dma_wait3A_16 = arith.constant 128 : i32
        %dma_wait3A_17 = tpu.memref_slice %arg7[%dma_wait3A, %dma_wait3A_16] : memref<4x640xf32, #tpu.memory_space<vmem>> -> memref<4x128xf32, #tpu.memory_space<vmem>>
        %dma_wait3A_18 = arith.constant 0 : i32
        %dma_wait3A_19 = arith.constant 128 : i32
        %dma_wait3A_20 = tpu.memref_slice %arg7[%dma_wait3A_18, %dma_wait3A_19] : memref<4x640xf32, #tpu.memory_space<vmem>> -> memref<4x128xf32, #tpu.memory_space<vmem>>
        tpu.wait_dma2 semaphore(%run_scoped3A : memref<!tpu.dma_semaphore, #tpu.memory_space<semaphore_mem>>) src(%arg4 : memref<4x128xf32, #tpu.memory_space<hbm>>) dst(%dma_wait3A_20 : memref<4x128xf32, #tpu.memory_space<vmem>>)
        tpu.yield
      }) : () -> ()
      "tpu.region"() ({
        %run_scoped3A = tpu.sem_alloc : memref<!tpu.dma_semaphore, #tpu.memory_space<semaphore_mem>>
        %dma_start3A = arith.constant 0 : i32
        %dma_start3A_11 = arith.constant 128 : i32
        %dma_start3A_12 = tpu.memref_slice %arg8[%dma_start3A, %dma_start3A_11] : memref<4x640xf32, #tpu.memory_space<vmem>> -> memref<4x128xf32, #tpu.memory_space<vmem>>
        %dma_start3A_13 = arith.constant 0 : i32
        %dma_start3A_14 = arith.constant 128 : i32
        %dma_start3A_15 = tpu.memref_slice %arg8[%dma_start3A_13, %dma_start3A_14] : memref<4x640xf32, #tpu.memory_space<vmem>> -> memref<4x128xf32, #tpu.memory_space<vmem>>
        tpu.enqueue_dma source(%arg5 : memref<4x128xf32, #tpu.memory_space<hbm>>) target(%dma_start3A_15 : memref<4x128xf32, #tpu.memory_space<vmem>>) target_semaphore(%run_scoped3A : memref<!tpu.dma_semaphore, #tpu.memory_space<semaphore_mem>>)
        %dma_wait3A = arith.constant 0 : i32
        %dma_wait3A_16 = arith.constant 128 : i32
        %dma_wait3A_17 = tpu.memref_slice %arg8[%dma_wait3A, %dma_wait3A_16] : memref<4x640xf32, #tpu.memory_space<vmem>> -> memref<4x128xf32, #tpu.memory_space<vmem>>
        %dma_wait3A_18 = arith.constant 0 : i32
        %dma_wait3A_19 = arith.constant 128 : i32
        %dma_wait3A_20 = tpu.memref_slice %arg8[%dma_wait3A_18, %dma_wait3A_19] : memref<4x640xf32, #tpu.memory_space<vmem>> -> memref<4x128xf32, #tpu.memory_space<vmem>>
        tpu.wait_dma2 semaphore(%run_scoped3A : memref<!tpu.dma_semaphore, #tpu.memory_space<semaphore_mem>>) src(%arg5 : memref<4x128xf32, #tpu.memory_space<hbm>>) dst(%dma_wait3A_20 : memref<4x128xf32, #tpu.memory_space<vmem>>)
        tpu.yield
      }) : () -> ()
      %scan3A = arith.constant 0 : i32
      %scan3A_7 = arith.constant 16 : i32
      %scan3A_8 = arith.addi %scan3A, %scan3A_7 : i32
      %scan3A_9 = arith.constant 1 : i32
      scf.for %scan3A_11 = %scan3A to %scan3A_8 step %scan3A_9  : i32 {
        %mul3A_12 = arith.constant 16 : i32
        %mul3A_13 = arith.muli %scan3A_11, %mul3A_12 : i32
        %get3A = arith.constant 0 : i32
        %get3A_14 = arith.index_cast %get3A : i32 to index
        %get3A_15 = arith.index_cast %mul3A_13 : i32 to index
        %get3A_16 = tpu.vector_load %arg8[%get3A_14, %get3A_15] {strides = array<i32>} : memref<4x640xf32, #tpu.memory_space<vmem>>, vector<1x16xf32>,
        %get3A_17 = vector.shape_cast %get3A_16 : vector<1x16xf32> to vector<16xf32>
        %get3A_18 = arith.constant 1 : i32
        %get3A_19 = arith.index_cast %get3A_18 : i32 to index
        %get3A_20 = arith.index_cast %mul3A_13 : i32 to index
        %get3A_21 = tpu.vector_load %arg8[%get3A_19, %get3A_20] {strides = array<i32>} : memref<4x640xf32, #tpu.memory_space<vmem>>, vector<1x16xf32>,
        %get3A_22 = vector.shape_cast %get3A_21 : vector<1x16xf32> to vector<16xf32>
        %get3A_23 = arith.constant 2 : i32
        %get3A_24 = arith.index_cast %get3A_23 : i32 to index
        %get3A_25 = arith.index_cast %mul3A_13 : i32 to index
        %get3A_26 = tpu.vector_load %arg8[%get3A_24, %get3A_25] {strides = array<i32>} : memref<4x640xf32, #tpu.memory_space<vmem>>, vector<1x16xf32>,
        %get3A_27 = vector.shape_cast %get3A_26 : vector<1x16xf32> to vector<16xf32>
        %get3A_28 = arith.constant 3 : i32
        %get3A_29 = arith.index_cast %get3A_28 : i32 to index
        %get3A_30 = arith.index_cast %mul3A_13 : i32 to index
        %get3A_31 = tpu.vector_load %arg8[%get3A_29, %get3A_30] {strides = array<i32>} : memref<4x640xf32, #tpu.memory_space<vmem>>, vector<1x16xf32>,
        %get3A_32 = vector.shape_cast %get3A_31 : vector<1x16xf32> to vector<16xf32>
        %get3A_33 = arith.constant 0 : i32
        %get3A_34 = arith.index_cast %get3A_33 : i32 to index
        %get3A_35 = arith.index_cast %mul3A_13 : i32 to index
        %get3A_36 = tpu.vector_load %arg7[%get3A_34, %get3A_35] {strides = array<i32>} : memref<4x640xf32, #tpu.memory_space<vmem>>, vector<1x16xf32>,
        %get3A_37 = vector.shape_cast %get3A_36 : vector<1x16xf32> to vector<16xf32>
        %get3A_38 = arith.constant 1 : i32
        %get3A_39 = arith.index_cast %get3A_38 : i32 to index
        %get3A_40 = arith.index_cast %mul3A_13 : i32 to index
        %get3A_41 = tpu.vector_load %arg7[%get3A_39, %get3A_40] {strides = array<i32>} : memref<4x640xf32, #tpu.memory_space<vmem>>, vector<1x16xf32>,
        %get3A_42 = vector.shape_cast %get3A_41 : vector<1x16xf32> to vector<16xf32>
        %get3A_43 = arith.constant 2 : i32
        %get3A_44 = arith.index_cast %get3A_43 : i32 to index
        %get3A_45 = arith.index_cast %mul3A_13 : i32 to index
        %get3A_46 = tpu.vector_load %arg7[%get3A_44, %get3A_45] {strides = array<i32>} : memref<4x640xf32, #tpu.memory_space<vmem>>, vector<1x16xf32>,
        %get3A_47 = vector.shape_cast %get3A_46 : vector<1x16xf32> to vector<16xf32>
        %jit3A = arith.constant -4.13516665 : f32
        %jit3A_48 = arith.constant 4.13516665 : f32
        %max3A = vector.broadcast %jit3A : f32 to vector<16xf32>
        %max3A_49 = arith.maximumf %max3A, %get3A_47 : vector<16xf32>
        %min3A = vector.broadcast %jit3A_48 : f32 to vector<16xf32>
        %min3A_50 = arith.minimumf %min3A, %max3A_49 : vector<16xf32>
        %get3A_51 = arith.constant 3 : i32
        %get3A_52 = arith.index_cast %get3A_51 : i32 to index
        %get3A_53 = arith.index_cast %mul3A_13 : i32 to index
        %get3A_54 = tpu.vector_load %arg7[%get3A_52, %get3A_53] {strides = array<i32>} : memref<4x640xf32, #tpu.memory_space<vmem>>, vector<1x16xf32>,
        %get3A_55 = vector.shape_cast %get3A_54 : vector<1x16xf32> to vector<16xf32>
        %jit3A_56 = arith.constant -4.13516665 : f32
        %jit3A_57 = arith.constant 4.13516665 : f32
        %max3A_58 = vector.broadcast %jit3A_56 : f32 to vector<16xf32>
        %max3A_59 = arith.maximumf %max3A_58, %get3A_55 : vector<16xf32>
        %min3A_60 = vector.broadcast %jit3A_57 : f32 to vector<16xf32>
        %min3A_61 = arith.minimumf %min3A_60, %max3A_59 : vector<16xf32>
        %sub3A = arith.subf %get3A_27, %get3A_17 : vector<16xf32>
        %sub3A_62 = arith.subf %get3A_32, %get3A_22 : vector<16xf32>
        %mul3A_63 = arith.constant 5.000000e-01 : f32
        %mul3A_64 = vector.broadcast %mul3A_63 : f32 to vector<16xf32>
        %mul3A_65 = arith.mulf %mul3A_64, %sub3A : vector<16xf32>
        %add3A_66 = arith.addf %get3A_17, %mul3A_65 : vector<16xf32>
        %mul3A_67 = arith.mulf %get3A_37, %sub3A : vector<16xf32>
        %add3A_68 = arith.addf %add3A_66, %mul3A_67 : vector<16xf32>
        %mul3A_69 = arith.constant 5.000000e-01 : f32
        %mul3A_70 = vector.broadcast %mul3A_69 : f32 to vector<16xf32>
        %mul3A_71 = arith.mulf %mul3A_70, %sub3A_62 : vector<16xf32>
        %add3A_72 = arith.addf %get3A_22, %mul3A_71 : vector<16xf32>
        %mul3A_73 = arith.mulf %get3A_42, %sub3A_62 : vector<16xf32>
        %add3A_74 = arith.addf %add3A_72, %mul3A_73 : vector<16xf32>
        %exp3A = math.exp %min3A_50 : vector<16xf32>
        %mul3A_75 = arith.mulf %sub3A, %exp3A : vector<16xf32>
        %mul3A_76 = arith.constant 5.000000e-01 : f32
        %mul3A_77 = vector.broadcast %mul3A_76 : f32 to vector<16xf32>
        %mul3A_78 = arith.mulf %mul3A_77, %mul3A_75 : vector<16xf32>
        %exp3A_79 = math.exp %min3A_61 : vector<16xf32>
        %mul3A_80 = arith.mulf %sub3A_62, %exp3A_79 : vector<16xf32>
        %mul3A_81 = arith.constant 5.000000e-01 : f32
        %mul3A_82 = vector.broadcast %mul3A_81 : f32 to vector<16xf32>
        %mul3A_83 = arith.mulf %mul3A_82, %mul3A_80 : vector<16xf32>
        %sub3A_84 = arith.subf %add3A_68, %mul3A_78 : vector<16xf32>
        %jit3A_85 = arith.constant 0.000000e+00 : f32
        %jit3A_86 = arith.constant 1.000000e+00 : f32
        %max3A_87 = vector.broadcast %jit3A_85 : f32 to vector<16xf32>
        %max3A_88 = arith.maximumf %max3A_87, %sub3A_84 : vector<16xf32>
        %min3A_89 = vector.broadcast %jit3A_86 : f32 to vector<16xf32>
        %min3A_90 = arith.minimumf %min3A_89, %max3A_88 : vector<16xf32>
        %swap3A = arith.constant 0 : i32
        %swap3A_91 = arith.index_cast %swap3A : i32 to index
        %swap3A_92 = arith.index_cast %mul3A_13 : i32 to index
        %swap3A_93 = tpu.vector_load %arg9[%swap3A_91, %swap3A_92] {strides = array<i32>} : memref<4x640xf32, #tpu.memory_space<vmem>>, vector<1x16xf32>,
        %swap3A_94 = vector.shape_cast %swap3A_93 : vector<1x16xf32> to vector<16xf32>
        %swap3A_95 = vector.shape_cast %min3A_90 : vector<16xf32> to vector<1x16xf32>
        tpu.vector_store %arg9[%swap3A_91, %swap3A_92], %swap3A_95 {strides = array<i32>} : memref<4x640xf32, #tpu.memory_space<vmem>>, vector<1x16xf32>,
        %sub3A_96 = arith.subf %add3A_74, %mul3A_83 : vector<16xf32>
        %jit3A_97 = arith.constant 0.000000e+00 : f32
        %jit3A_98 = arith.constant 1.000000e+00 : f32
        %max3A_99 = vector.broadcast %jit3A_97 : f32 to vector<16xf32>
        %max3A_100 = arith.maximumf %max3A_99, %sub3A_96 : vector<16xf32>
        %min3A_101 = vector.broadcast %jit3A_98 : f32 to vector<16xf32>
        %min3A_102 = arith.minimumf %min3A_101, %max3A_100 : vector<16xf32>
        %swap3A_103 = arith.constant 1 : i32
        %swap3A_104 = arith.index_cast %swap3A_103 : i32 to index
        %swap3A_105 = arith.index_cast %mul3A_13 : i32 to index
        %swap3A_106 = tpu.vector_load %arg9[%swap3A_104, %swap3A_105] {strides = array<i32>} : memref<4x640xf32, #tpu.memory_space<vmem>>, vector<1x16xf32>,
        %swap3A_107 = vector.shape_cast %swap3A_106 : vector<1x16xf32> to vector<16xf32>
        %swap3A_108 = vector.shape_cast %min3A_102 : vector<16xf32> to vector<1x16xf32>
        tpu.vector_store %arg9[%swap3A_104, %swap3A_105], %swap3A_108 {strides = array<i32>} : memref<4x640xf32, #tpu.memory_space<vmem>>, vector<1x16xf32>,
        %add3A_109 = arith.addf %add3A_68, %mul3A_78 : vector<16xf32>
        %jit3A_110 = arith.constant 0.000000e+00 : f32
        %jit3A_111 = arith.constant 1.000000e+00 : f32
        %max3A_112 = vector.broadcast %jit3A_110 : f32 to vector<16xf32>
        %max3A_113 = arith.maximumf %max3A_112, %add3A_109 : vector<16xf32>
        %min3A_114 = vector.broadcast %jit3A_111 : f32 to vector<16xf32>
        %min3A_115 = arith.minimumf %min3A_114, %max3A_113 : vector<16xf32>
        %swap3A_116 = arith.constant 2 : i32
        %swap3A_117 = arith.index_cast %swap3A_116 : i32 to index
        %swap3A_118 = arith.index_cast %mul3A_13 : i32 to index
        %swap3A_119 = tpu.vector_load %arg9[%swap3A_117, %swap3A_118] {strides = array<i32>} : memref<4x640xf32, #tpu.memory_space<vmem>>, vector<1x16xf32>,
        %swap3A_120 = vector.shape_cast %swap3A_119 : vector<1x16xf32> to vector<16xf32>
        %swap3A_121 = vector.shape_cast %min3A_115 : vector<16xf32> to vector<1x16xf32>
        tpu.vector_store %arg9[%swap3A_117, %swap3A_118], %swap3A_121 {strides = array<i32>} : memref<4x640xf32, #tpu.memory_space<vmem>>, vector<1x16xf32>,
        %add3A_122 = arith.addf %add3A_74, %mul3A_83 : vector<16xf32>
        %jit3A_123 = arith.constant 0.000000e+00 : f32
        %jit3A_124 = arith.constant 1.000000e+00 : f32
        %max3A_125 = vector.broadcast %jit3A_123 : f32 to vector<16xf32>
        %max3A_126 = arith.maximumf %max3A_125, %add3A_122 : vector<16xf32>
        %min3A_127 = vector.broadcast %jit3A_124 : f32 to vector<16xf32>
        %min3A_128 = arith.minimumf %min3A_127, %max3A_126 : vector<16xf32>
        %swap3A_129 = arith.constant 3 : i32
        %swap3A_130 = arith.index_cast %swap3A_129 : i32 to index
        %swap3A_131 = arith.index_cast %mul3A_13 : i32 to index
        %swap3A_132 = tpu.vector_load %arg9[%swap3A_130, %swap3A_131] {strides = array<i32>} : memref<4x640xf32, #tpu.memory_space<vmem>>, vector<1x16xf32>,
        %swap3A_133 = vector.shape_cast %swap3A_132 : vector<1x16xf32> to vector<16xf32>
        %swap3A_134 = vector.shape_cast %min3A_128 : vector<16xf32> to vector<1x16xf32>
        tpu.vector_store %arg9[%swap3A_130, %swap3A_131], %swap3A_134 {strides = array<i32>} : memref<4x640xf32, #tpu.memory_space<vmem>>, vector<1x16xf32>,
      }
      %scan3A_10 = arith.constant 16 : i32
      "tpu.region"() ({
        %run_scoped3A = tpu.sem_alloc : memref<!tpu.dma_semaphore, #tpu.memory_space<semaphore_mem>>
        %dma_start3A = arith.constant 0 : i32
        %dma_start3A_11 = arith.constant 0 : i32
        %dma_start3A_12 = tpu.memref_slice %arg9[%dma_start3A, %dma_start3A_11] : memref<4x640xf32, #tpu.memory_space<vmem>> -> memref<4x256xf32, #tpu.memory_space<vmem>>
        %dma_start3A_13 = arith.constant 0 : i32
        %dma_start3A_14 = arith.constant 19840 : i32
        %dma_start3A_15 = tpu.memref_slice %arg6[%dma_start3A_13, %dma_start3A_14] : memref<4x20096xf32, #tpu.memory_space<hbm>> -> memref<4x256xf32, #tpu.memory_space<hbm>>
        %dma_start3A_16 = arith.constant 0 : i32
        %dma_start3A_17 = arith.constant 19840 : i32
        %dma_start3A_18 = tpu.memref_slice %arg6[%dma_start3A_16, %dma_start3A_17] : memref<4x20096xf32, #tpu.memory_space<hbm>> -> memref<4x256xf32, #tpu.memory_space<hbm>>
        %dma_start3A_19 = arith.constant 0 : i32
        %dma_start3A_20 = arith.constant 0 : i32
        %dma_start3A_21 = tpu.memref_slice %arg9[%dma_start3A_19, %dma_start3A_20] : memref<4x640xf32, #tpu.memory_space<vmem>> -> memref<4x256xf32, #tpu.memory_space<vmem>>
        tpu.enqueue_dma source(%dma_start3A_21 : memref<4x256xf32, #tpu.memory_space<vmem>>) target(%dma_start3A_18 : memref<4x256xf32, #tpu.memory_space<hbm>>) target_semaphore(%run_scoped3A : memref<!tpu.dma_semaphore, #tpu.memory_space<semaphore_mem>>)
        %dma_wait3A = arith.constant 0 : i32
        %dma_wait3A_22 = arith.constant 0 : i32
        %dma_wait3A_23 = tpu.memref_slice %arg9[%dma_wait3A, %dma_wait3A_22] : memref<4x640xf32, #tpu.memory_space<vmem>> -> memref<4x256xf32, #tpu.memory_space<vmem>>
        %dma_wait3A_24 = arith.constant 0 : i32
        %dma_wait3A_25 = arith.constant 19840 : i32
        %dma_wait3A_26 = tpu.memref_slice %arg6[%dma_wait3A_24, %dma_wait3A_25] : memref<4x20096xf32, #tpu.memory_space<hbm>> -> memref<4x256xf32, #tpu.memory_space<hbm>>
        %dma_wait3A_27 = arith.constant 0 : i32
        %dma_wait3A_28 = arith.constant 19840 : i32
        %dma_wait3A_29 = tpu.memref_slice %arg6[%dma_wait3A_27, %dma_wait3A_28] : memref<4x20096xf32, #tpu.memory_space<hbm>> -> memref<4x256xf32, #tpu.memory_space<hbm>>
        %dma_wait3A_30 = arith.constant 0 : i32
        %dma_wait3A_31 = arith.constant 0 : i32
        %dma_wait3A_32 = tpu.memref_slice %arg9[%dma_wait3A_30, %dma_wait3A_31] : memref<4x640xf32, #tpu.memory_space<vmem>> -> memref<4x256xf32, #tpu.memory_space<vmem>>
        tpu.wait_dma2 semaphore(%run_scoped3A : memref<!tpu.dma_semaphore, #tpu.memory_space<semaphore_mem>>) src(%dma_wait3A_32 : memref<4x256xf32, #tpu.memory_space<vmem>>) dst(%dma_wait3A_29 : memref<4x256xf32, #tpu.memory_space<hbm>>)
        tpu.yield
      }) : () -> ()
    } else {
    }
    return
  }
}

</mosaic_0001>

<sc_bundles>
// kernel: kernel.3.cloned.1.call-start
scs
__scs_entry_jumppad:
0x0: {  	(pc) =	sbr.rel $0x88, $3  }
0x1: {  	(tag) =	ssettag $0x0;
	lr =	simm.s32 $0x1  }
0x2: {  	[smem:$0x3F9E] =	sst lr;
	_ =	strace $0xD0000000  }
0x3: {  	_ = 	snop  }
0x4: {  	_ = 	snop  }
0x5: {  	_ = 	snop  }
0x6: {  	_ = 	snop  }
0x7: {  	_ = 	snop  }
__scs_overlays_trampoline_lowered:
0x8: {  	[smem:$0x3FAD] =	sst s0  }
0x9: {  	[smem:$0x3FAE] =	sst s1  }
0xa: {  	[smem:$0x3FAF] =	sst s2  }
0xb: {  	[smem:$0x3FB0] =	sst s3  }
0xc: {  	[smem:$0x3FB1] =	sst s4  }
0xd: {  	[smem:$0x3FB2] =	sst s5  }
0xe: {  	[smem:$0x3FB3] =	sst s6  }
0xf: {  	[smem:$0x3FB4] =	sst s7  }
0x10: {  	[smem:$0x3FB5] =	sst s8  }
0x11: {  	[smem:$0x3FB6] =	sst s9;
	s0 =	simm.s32 @!p0 $0x0  }
0x12: {  	s1 =	sld [smem:$0x3F9C];
	s0 =	simm.s32 @p0 $0x1  }
0x13: {  	[smem:$0x3FB7] =	sst s0;
	s0 =	simm.s32 @!p1 $0x0  }
0x14: {  	s2 =	sld [smem:$0x3F9B];
	s0 =	simm.s32 @p1 $0x1  }
0x15: {  	[smem:$0x3FB8] =	sst s0;
	s0 =	simm.s32 @!p2 $0x0  }
0x16: {  	s3 =	sld [smem:$0x3FDB];
	s0 =	simm.s32 @p2 $0x1  }
0x17: {  	s4 =	simm.s32 $0x1BF5;
	[smem:$0x3FBA] =	sst s0  }
0x18: {  	s0 =	sld [smem:$0x3F9D];
	_ =	swait.ge [sflag:s4], $0x0  }
0x19: {  	s7 =	sld [smem:$0x3F9E]  }
0x1a: {  	s8 =	sadd.s32 $0xFFFFE003, lr  }
0x1b: {  	s9 =	sadd.s32 $0xFFFFFEF7, lr;
	s5 =	simm.s32 $0xFFFFFFFF;
	p2 =	slt.u32 s8, $0xFFFFF086  }
0x1c: {  	p1 =	slt.u32 s9, $0xF7A;
	s5 =	simm.s32 @!p2 $0x0  }
0x1d: {  	s5 =	simm.s32 @p1 $0x1;
	p0 =	seq.s32 s7, s2  }
0x1e: {  	s7 =	smul.u32 @!p0 $0xF7A, s2;
	p2 =	seq.s32 @!p0 s5, $0x0  }
0x1f: {  	s9 =	smul.u32 $0xF7A, s1;
	s8 =	simm.s32 @!p0 $0x1BF5;
	p2 =	por !p2, p0  }
0x20: {  	[sflag:s8] =	ssyncset.s32 @!p0 $0xFFFFF086;
	s6 =	sadd.s32 @!p0 s3, s7;
	s7 =	simm.s32 @!p0 $0x108  }
0x21: {  	s3 =	sadd.s32 s3, s9;
	s6 =	sadd.s32 @!p0 $0x88, s6;
	s7 =	simm.s32 @p2 $0x1082  }
0x22: {  	[simem:s7], [sflag:s8] =	dma.local @!p0 [hbm:s6], $0xF7A  }
0x23: {  	s9 =	sor.u32 $0xD0000000, s2;
	s6 =	simm.s32 $0x108;
	_ =	swait.ge @!p0 [sflag:s8], $0x0  }
0x24: {  	s3 =	sadd.s32 $0x88, s3;
	s6 =	simm.s32 @!p1 $0x1082;
	[sflag:s4] =	ssyncset.s32 $0xFFFFF086  }
0x25: {  	[simem:s6], [sflag:s4] =	dma.local [hbm:s3], $0xF7A  }
0x26: {  	[smem:$0x3F9E] =	sst s1;
	(tag) =	ssettag s2;
	_ =	strace s9  }
0x27: {  	s1 =	sld [smem:$0x3FAE]  }
0x28: {  	s2 =	sld [smem:$0x3FAF]  }
0x29: {  	s4 =	sld [smem:$0x3FB1]  }
0x2a: {  	p0 =	seq.s32 s5, $0x0;
	s5 =	sld [smem:$0x3FB2]  }
0x2b: {  	s6 =	sld [smem:$0x3FB3]  }
0x2c: {  	s7 =	sld [smem:$0x3FB4]  }
0x2d: {  	s3 =	simm.s32 $0x108;
	s8 =	sld [smem:$0x3FB5]  }
0x2e: {  	s3 =	simm.s32 @!p0 $0x1082;
	s9 =	sld [smem:$0x3FB6]  }
0x2f: {  	lr =	sadd.s32 s0, s3;
	s0 =	sld [smem:$0x3FAD]  }
0x30: {  	s3 =	sld [smem:$0x3FB0]  }
0x31: {  	[smem:$0x3FB9] =	sst s10  }
0x32: {  	s10 =	sld [smem:$0x3FB7];
	_ =	sdelay $0x3  }
0x33: {  	p0 =	seq.s32 s10, $0x1;
	s10 =	sld [smem:$0x3FB9];
	_ =	sdelay $0x3  }
0x34: {  	[smem:$0x3FB9] =	sst s10  }
0x35: {  	s10 =	sld [smem:$0x3FB8];
	_ =	sdelay $0x3  }
0x36: {  	p1 =	seq.s32 s10, $0x1;
	s10 =	sld [smem:$0x3FB9];
	_ =	sdelay $0x3  }
0x37: {  	[smem:$0x3FB9] =	sst s10  }
0x38: {  	s10 =	sld [smem:$0x3FBA]  }
0x39: {  	_ = 	snop;
	(pc) =	sbr.ind lr, $3  }
0x3a: {  	_ = 	snop  }
0x3b: {  	_ = 	snop  }
0x3c: {  	p2 =	seq.s32 s10, $0x1;
	s10 =	sld [smem:$0x3FB9]  }
0x3d: {  	_ =	shalt  }
0x3e: {  	_ =	shalt  }
0x3f: {  	_ =	shalt  }
0x40: {  	_ =	shalt  }
0x41: {  	_ =	shalt  }
0x42: {  	_ =	shalt  }
0x43: {  	_ =	shalt  }
0x44: {  	_ =	shalt  }
0x45: {  	_ =	shalt  }
0x46: {  	_ =	shalt  }
0x47: {  	_ =	shalt  }
0x48: {  	_ =	shalt  }
0x49: {  	_ =	shalt  }
0x4a: {  	_ =	shalt  }
0x4b: {  	_ =	shalt  }
0x4c: {  	_ =	shalt  }
0x4d: {  	_ =	shalt  }
0x4e: {  	_ =	shalt  }
0x4f: {  	_ =	shalt  }
0x50: {  	_ =	shalt  }
0x51: {  	_ =	shalt  }
0x52: {  	_ =	shalt  }
0x53: {  	_ =	shalt  }
0x54: {  	_ =	shalt  }
0x55: {  	_ =	shalt  }
0x56: {  	_ =	shalt  }
0x57: {  	_ =	shalt  }
0x58: {  	_ =	shalt  }
0x59: {  	_ =	shalt  }
0x5a: {  	_ =	shalt  }
0x5b: {  	_ =	shalt  }
0x5c: {  	_ =	shalt  }
0x5d: {  	_ =	shalt  }
0x5e: {  	_ =	shalt  }
0x5f: {  	_ =	shalt  }
0x60: {  	_ =	shalt  }
0x61: {  	_ =	shalt  }
0x62: {  	_ =	shalt  }
0x63: {  	_ =	shalt  }
0x64: {  	_ =	shalt  }
0x65: {  	_ =	shalt  }
0x66: {  	_ =	shalt  }
0x67: {  	_ =	shalt  }
0x68: {  	_ =	shalt  }
0x69: {  	_ =	shalt  }
0x6a: {  	_ =	shalt  }
0x6b: {  	_ =	shalt  }
0x6c: {  	_ =	shalt  }
0x6d: {  	_ =	shalt  }
0x6e: {  	_ =	shalt  }
0x6f: {  	_ =	shalt  }
0x70: {  	_ =	shalt  }
0x71: {  	_ =	shalt  }
0x72: {  	_ =	shalt  }
0x73: {  	_ =	shalt  }
0x74: {  	_ =	shalt  }
0x75: {  	_ =	shalt  }
0x76: {  	_ =	shalt  }
0x77: {  	_ =	shalt  }
0x78: {  	_ =	shalt  }
0x79: {  	_ =	shalt  }
0x7a: {  	_ =	shalt  }
0x7b: {  	_ =	shalt  }
0x7c: {  	_ =	shalt  }
0x7d: {  	_ =	shalt  }
0x7e: {  	_ =	shalt  }
0x7f: {  	_ =	shalt  }
0x80: {  	_ =	shalt  }
0x81: {  	_ =	shalt  }
0x82: {  	_ =	shalt  }
0x83: {  	_ =	shalt  }
0x84: {  	_ =	shalt  }
0x85: {  	_ =	shalt  }
0x86: {  	_ =	shalt  }
0x87: {  	_ =	shalt  }
.Lfunc_end0:
.L_simem_size_0:
called_computation_lowered:
.L_overlay_start_0:
0x88: {  	s2 =	sld [smem:$0x3FD9]  }
0x89: {  	s3 =	sld [smem:$0x3FFE];
	_ =	sdelay $0x1  }
0x8a: {  	s1 =	srdreg.scid  }
0x8b: {  	s0 =	sand.u32 $0x1, s1  }
0x8c: {  	s14 =	sshll.u32 s0, $0xA;
	s2 =	sadd.s32 s3, s2  }
0x8d: {  	s2 =	sadd.s32 s2, s14  }
0x8e: {  	[smem:$0x3FC5] =	sst s2  }
0x8f: {  	_ = 	snop  }
0x90: {  	s2 =	sld [smem:$0x3FD0];
	_ =	sdelay $0x1  }
0x91: {  	s15 =	sld [smem:$0x3FC8]  }
0x92: {  	s5 =	simm.s32 $0xA;
	s6 =	simm.s32 $0x10;
	s4 =	sld [smem:$0x3FC7]  }
0x93: {  	[smem:s6], [sflag:s5] =	dma.local [hbm:s2], $0x1  }
0x94: {  	_ =	swait.eq [sflag:s5], $0x1  }
0x95: {  	[sflag:s5] =	ssyncset.done $0x0  }
0x96: {  	s16 =	sld [smem:$0x10];
	[sflag:s5] =	ssyncadd.s32 $0xFFFFFFFF  }
0x97: {  	s17 =	sld [smem:$0x11];
	(tm) =	ssettm $0x1  }
0x98: {  	s18 =	sld [smem:$0x3FFB];
	_ =	sdelay $0x3  }
0x99: {  	_ =	strace s18  }
0x9a: {  	s6 =	sld [smem:$0x3FFC];
	_ =	sdelay $0x3  }
0x9b: {  	_ =	strace s6  }
0x9c: {  	s6 =	sld [smem:$0x3FFD];
	_ =	sdelay $0x3  }
0x9d: {  	_ =	strace s6  }
0x9e: {  	_ =	strace $0x8FFFFFFF  }
0x9f: {  	s19 =	sld [smem:$0x3FDB];
	_ =	sdelay $0x1  }
0xa0: {  	s7 =	simm.s32 $_scs_section_size  }
0xa1: {  	s8 =	simm.s32 $_size__tile_overlayer_lowered;
	s9 =	simm.s32 $_tile_overlayer_lowered  }
0xa2: {  	s22 =	simm.s32 $0x1BFF;
	s21 =	sshll.u32 s9, $0x1;
	s6 =	sadd.s32 s7, s19  }
0xa3: {  	s10 =	simm.s32 $0x0;
	s20 =	sshll.u32 s8, $0x1;
	s8 =	sadd.s32 s21, s6  }
0xa4: {  	[timem:s10], [sflag:s22] =	dma.local [hbm:s8], s20  }
0xa5: {  	_ =	swait.ge [sflag:s22], s20  }
0xa6: {  	s7 =	ssub.s32 $0x0, s20;
	[sflag:s22] =	ssyncset.done $0x0  }
0xa7: {  	[sflag:s22] =	ssyncadd.s32 s7;
	_ =	sdelay $0x1  }
0xa8: {  	s23 =	simm.s32 $0x1B8B  }
0xa9: {  	_ =	swait.ge [sflag:s23], $0x1  }
0xaa: {  	[sflag:s23] =	ssyncset.done $0x0  }
0xab: {  	s25 =	simm.s32 $0x1B8E;
	s24 =	sld [smem:$0x3FFE];
	[sflag:s23] =	ssyncadd.s32 $0xFFFFFFFF  }
0xac: {  	s26 =	simm.s32 $execute0_lowered;
	[smem:$0x3FD2] =	sst s25  }
0xad: {  	s8 =	sshll.u32 s26, $0x1;
	_ =	strace $0x80000046;
	[dreg:$0x1] =	wrdreg $0xFFFFFFFF  }
0xae: {  	s28 =	simm.s32 $_size_execute0_lowered;
	s6 =	sadd.s32 s6, s8;
	[dreg:$0x0] =	wrdreg $0x0  }
0xaf: {  	s8 =	sshll.u32 s28, $0x1;
	[dreg:$0x2] =	wrdreg s6  }
0xb0: {  	[dreg:$0x3] =	wrdreg s8  }
0xb1: {  	[dreg:$0x4] =	wrdreg $0xC0  }
0xb2: {  	_ =	task [dreg:s10], $0x5FFFF  }
0xb3: {  	[dreg:$0x1] =	wrdreg $0xFFFFFFFF  }
0xb4: {  	[dreg:$0x0] =	wrdreg $0x60  }
0xb5: {  	[dreg:$0x2] =	wrdreg s15  }
0xb6: {  	[dreg:$0x3] =	wrdreg s4  }
0xb7: {  	[dreg:$0x4] =	wrdreg s17  }
0xb8: {  	[dreg:$0x5] =	wrdreg s24  }
0xb9: {  	[dreg:$0x6] =	wrdreg s16  }
0xba: {  	[dreg:$0x7] =	wrdreg $0x9  }
0xbb: {  	_ =	task.clear_ibuf [dreg:s10], $0x8FFFF;
	_ =	strace $0x90000046  }
0xbc: {  	s29 =	simm.s32 $0x9;
	_ =	strace $0x80000048  }
0xbd: {  	_ =	swait.ge [sflag:s29], $0x1  }
0xbe: {  	[sflag:s29] =	ssyncadd.s32 $0xFFFFFFFF  }
0xbf: {  	_ =	strace $0x90000048  }
0xc0: {  	_ =	sfence  }
0xc1: {  	s30 =	sld [smem:$0x0];
	_ =	sdelay $0x2  }
0xc2: {  	s31 =	sshll.u32 s1, $0xD;
	s1 =	sshrl.u32 s1, $0x2  }
0xc3: {  	s3 =	sand.u32 $0x4000, s31;
	s1 =	sadd.s32 s1, s30  }
0xc4: {  	s0 =	sor.u32 s3, s0;
	s1 =	sshll.u32 s1, $0x11  }
0xc5: {  	s0 =	sor.u32 s1, s0  }
0xc6: {  	s0 =	sadd.s32 $0x8F2B, s0  }
0xc7: {  	[sflag:s0] =	ssyncadd.remote.s32 $0x1  }
0xc8: {  	_ =	sfence.sel $0xFFFF  }
0xc9: {  	[dreg:$0x0] =	wrdreg $0xFFFFFFFF;
	(pc) =	sbr.abs _section_cstart, $3  }
0xca: {  	[dreg:$0x1] =	wrdreg $0xFFFFFFFF  }
0xcb: {  	_ =	task.clear_ibuf [dreg:s10], $0x2FFFF;
	_ =	strace $0x9FFFFFFF  }
0xcc: {  	(tm) =	ssettm $0x7FFFFFFF  }
0xcd: {  	_ =	shalt  }
tec
execute0_lowered:
.L_overlay_start_1:
0x0: {  	(tag) =	ssettag $0x1  }
0x1: {  	s8 =	rddreg [dreg:$0x0]  }
0x2: {  	s9 =	rddreg [dreg:$0x1]  }
0x3: {  	s1 =	rddreg [dreg:$0x2]  }
0x4: {  	s4 =	rddreg [dreg:$0x3];
	s2 =	srdreg.scid  }
0x5: {  	s0 =	stileid.u32;
	s10 =	rddreg [dreg:$0x4]  }
0x6: {  	s3 =	simm.s32 $0x0;
	s13 =	simm.s32 $0xA00;
	s14 =	simm.s32 $0x200  }
0x7: {  	s15 =	simm.s32 $0xC00;
	s5 =	sand.u32 $0x1, s2;
	s6 =	sshll.u32 s0, $0x1  }
0x8: {  	s16 =	simm.s32 $0x1400;
	s2 =	rddreg [dreg:$0x5];
	s12 =	sor.u32 s5, s6  }
0x9: {  	s17 =	simm.s32 $0x0;
	[smem:$0x7FF] =	sst s3;
	s7 =	smul.u32 $0x140, s12  }
.Ltmp0:
0xa: {  	s4 =	sadd.s32 $0x400, s4;
	s5 =	ssub.s32 $0x2, s5;
	(pc) =	sbr.rel .LBB2_1-.Ltmp0, $4  }
0xb: {  	_ =	strace $0x80000047;
	s31 =	sshrl.u32 s5, $0x1;
	p0 =	seq.s32 s12, $0x1F  }
0xc: {  	s12 =	simm.s32 $0x1;
	s11 =	ssub.s32 s5, s31;
	s5 =	sadd.s32 s8, s7  }
0xd: {  	s6 =	sadd.s32 s9, s7;
	s7 =	sadd.s32 s10, s7;
	s8 =	sadd.s32 $0x26C0, s8  }
0xe: {  	s9 =	sadd.s32 $0x26C0, s9;
	s10 =	sadd.s32 $0x26C0, s10;
	s11 =	smax.u32 s11, $0x1  }
.LBB2_7:
0xf: {  	v1 =	vmax.f32 v1, $-4.135166650e+00  }
0x10: {  	v0 =	vmax.f32 v0, $-4.135166650e+00;
	v1 =	vmin.f32 v1, $4.135166650e+00  }
0x11: {  	v0 =	vmin.f32 v0, $4.135166650e+00;
	v1 =	vmul.f32 $1.442695020e+00, v1  }
0x12: {  	v2 =	vld [tilespmem:s19+$0xA00];
	v0 =	vmul.f32 $1.442695020e+00, v0  }
0x13: {  	v3 =	vld [tilespmem:s19+$0xB00];
	(erf) = vpow2.f32 v1  }
0x14: {  	s20 =	sor.u32 $0x80, s23;
	v58 =	vld [tilespmem:s18+$0xA00];
	(erf) = vpow2.f32 v0  }
0x15: {  	v57 =	vld [tilespmem:s20+$0xA00];
	_ =	sdelay $0x2  }
0x16: {  	v4 =	vld [tilespmem:s19+$0x0]  }
0x17: {  	v5 =	vld [tilespmem:s20+$0x0];
	v3 =	vsub.f32 v3, v2  }
0x18: {  	v0 =	vsub.f32 v58, v57  }
0x19: {  	v6 =	vmul.f32 $5.000000000e-01, v3  }
0x1a: {  	v7 =	vmul.f32 $5.000000000e-01, v0;
	v8 =	vpop (erf)  }
0x1b: {  	v4 =	vmul.f32 v4, v3;
	v2 =	vadd.f32 v6, v2;
	v3 =	vmul.f32 v8, v3;
	v59 =	vpop (erf)  }
0x1c: {  	v5 =	vmul.f32 v5, v0;
	v1 =	vadd.f32 v7, v57;
	v0 =	vmul.f32 v59, v0  }
0x1d: {  	v2 =	vadd.f32 v4, v2;
	v3 =	vmul.f32 $5.000000000e-01, v3  }
0x1e: {  	v1 =	vadd.f32 v5, v1;
	v0 =	vmul.f32 $5.000000000e-01, v0  }
0x1f: {  	v4 =	vsub.f32 v2, v3  }
0x20: {  	v5 =	vsub.f32 v1, v0  }
0x21: {  	v2 =	vadd.f32 v3, v2;
	v4 =	vmax.f32 v4, $0.0e+00  }
0x22: {  	v0 =	vadd.f32 v0, v1;
	v60 =	vmin.f32 v4, $1.000000000e+00;
	v61 =	vmax.f32 v5, $0.0e+00  }
0x23: {  	v2 =	vmax.f32 v2, $0.0e+00;
	[tilespmem:s19+$0x1400] =	vst v60;
	v62 =	vmin.f32 v61, $1.000000000e+00  }
0x24: {  	v63 =	vmin.f32 v2, $1.000000000e+00;
	v0 =	vmax.f32 v0, $0.0e+00;
	[tilespmem:s20+$0x1400] =	vst v62  }
0x25: {  	v0 =	vmin.f32 v0, $1.000000000e+00;
	[tilespmem:s19+$0x1500] =	vst v63  }
0x26: {  	[tilespmem:s18+$0x1400] =	vst v0  }
0x27: {  	[hbm4b:s10+s3] =	stream.linear.scatter [tilespmem:s16], [sflag:$0x1], $0x400, $0x38;
	[tilespmem:$0x1E00] =	vst v63  }
0x28: {  	_ =	swait.ge [sflag:s12], $0x400  }
0x29: {  	[sflag:s12] =	ssyncset.done $0x0  }
0x2a: {  	[sflag:s12] =	ssyncadd.s32 $0xFFFFFC00  }
.LBB2_8:
0x2b: {  	s17 =	sadd.s32 $0x1, s17  }
0x2c: {  	p1 =	sne.s32 s17, s11  }
.Ltmp1:
0x2d: {  	_ = 	snop;
	(pc) =	sbr.rel @!p1 .LBB2_9-.Ltmp1, $1  }
0x2e: {  	_ =	sdelay $0x3  }
.LBB2_1:
.Ltmp2:
0x2f: {  	(pc) =	sbr.rel @!p0 .LBB2_2-.Ltmp2, $1  }
0x30: {  	_ =	sdelay $0x3  }
0x31: {  	s20 =	simm.s32 $0x0  }
0x32: {  	[tilespmem:s20], [sflag:$0x1] =	stream.linear.gather [hbm4b:s8+s20], $0x200, $0x38;
	[tilespmem:$0x1E00] =	vst v63  }
0x33: {  	_ =	swait.ge [sflag:s12], $0x200  }
0x34: {  	[sflag:s12] =	ssyncset.done $0x0  }
0x35: {  	[sflag:s12] =	ssyncadd.s32 $0xFFFFFE00  }
0x36: {  	[tilespmem:s13], [sflag:$0x1] =	stream.linear.gather [hbm4b:s9+s20], $0x200, $0x38;
	[tilespmem:$0x1E00] =	vst v63  }
0x37: {  	_ =	swait.ge [sflag:s12], $0x200  }
0x38: {  	[sflag:s12] =	ssyncset.done $0x0  }
0x39: {  	[sflag:s12] =	ssyncadd.s32 $0xFFFFFE00  }
0x3a: {  	[tilespmem:s14], [sflag:$0x1] =	stream.linear.gather [hbm4b:s1+s20], $0x200, $0x38;
	[tilespmem:$0x1E00] =	vst v63  }
0x3b: {  	_ =	swait.ge [sflag:s12], $0x200  }
0x3c: {  	[sflag:s12] =	ssyncset.done $0x0  }
0x3d: {  	[sflag:s12] =	ssyncadd.s32 $0xFFFFFE00  }
0x3e: {  	[tilespmem:s15], [sflag:$0x1] =	stream.linear.gather [hbm4b:s4+s20], $0x200, $0x38;
	[tilespmem:$0x1E00] =	vst v63  }
0x3f: {  	s31 =	simm.s32 $0x0;
	s18 =	sand.u32 $0xFFFFFE00, s20;
	_ =	swait.ge [sflag:s12], $0x200  }
0x40: {  	s19 =	sand.u32 $0x70, s31;
	s23 =	sadd.s32 $0x0, s18;
	[sflag:s12] =	ssyncset.done $0x0  }
0x41: {  	s21 =	sand.u32 $0x200, s20;
	s18 =	sor.u32 $0x180, s23;
	[sflag:s12] =	ssyncadd.s32 $0xFFFFFE00  }
0x42: {  	s19 =	sor.u32 s19, s21;
	v0 =	vld [tilespmem:s18+$0x0]  }
0x43: {  	s22 =	simm.s32 $0x40;
	s21 =	simm.s32 $0xFFFFFF00;
	v1 =	vld [tilespmem:s19+$0x100]  }
.LBB2_6:
0x44: {  	p1 =	sne.s32 s22, $0x3C0;
	v2 =	vld [tilespmem:s19+$0xA00]  }
0x45: {  	v3 =	vld [tilespmem:s19+$0xB00]  }
0x46: {  	v4 =	vld [tilespmem:s19+$0x0];
	_ =	sdelay $0x1  }
0x47: {  	v1 =	vmax.f32 v1, $-4.135166650e+00  }
0x48: {  	v0 =	vmax.f32 v0, $-4.135166650e+00;
	v1 =	vmin.f32 v1, $4.135166650e+00  }
0x49: {  	v0 =	vmin.f32 v0, $4.135166650e+00;
	v1 =	vmul.f32 $1.442695020e+00, v1  }
0x4a: {  	v0 =	vmul.f32 $1.442695020e+00, v0  }
0x4b: {  	s24 =	sor.u32 $0x80, s23;
	(erf) = vpow2.f32 v1  }
0x4c: {  	v1 =	vld [tilespmem:s24+$0xA00];
	(erf) = vpow2.f32 v0  }
0x4d: {  	v0 =	vld [tilespmem:s18+$0xA00];
	_ =	sdelay $0x3  }
0x4e: {  	v3 =	vsub.f32 v3, v2;
	v5 =	vld [tilespmem:s24+$0x0]  }
0x4f: {  	v0 =	vsub.f32 v0, v1  }
0x50: {  	v9 =	vmul.f32 $5.000000000e-01, v3  }
0x51: {  	v7 =	vmul.f32 $5.000000000e-01, v0;
	v8 =	vpop (erf)  }
0x52: {  	v4 =	vmul.f32 v4, v3;
	v2 =	vadd.f32 v9, v2;
	v3 =	vmul.f32 v8, v3;
	v6 =	vpop (erf)  }
0x53: {  	v1 =	vadd.f32 v7, v1;
	v5 =	vmul.f32 v5, v0;
	v0 =	vmul.f32 v6, v0  }
0x54: {  	v2 =	vadd.f32 v4, v2;
	v3 =	vmul.f32 $5.000000000e-01, v3  }
0x55: {  	v1 =	vadd.f32 v5, v1;
	v0 =	vmul.f32 $5.000000000e-01, v0  }
0x56: {  	v4 =	vsub.f32 v2, v3  }
0x57: {  	v5 =	vsub.f32 v1, v0  }
0x58: {  	v2 =	vadd.f32 v3, v2;
	v4 =	vmax.f32 v4, $0.0e+00  }
0x59: {  	s23 =	sand.u32 $0xFFFFFE00, s22;
	v0 =	vadd.f32 v0, v1;
	v3 =	vmin.f32 v4, $1.000000000e+00;
	v4 =	vmax.f32 v5, $0.0e+00  }
.Ltmp3:
0x5a: {  	s20 =	sadd.s32 $0x10, s20;
	s21 =	sadd.s32 $0x10, s21;
	v2 =	vmax.f32 v2, $0.0e+00;
	[tilespmem:s19+$0x1400] =	vst v3;
	v1 =	vmin.f32 v4, $1.000000000e+00;
	(pc) =	sbr.rel @p1 .LBB2_6-.Ltmp3, $4  }
0x5b: {  	s23 =	sadd.s32 s23, s20;
	s25 =	sadd.s32 $0x100, s21;
	v0 =	vmax.f32 v0, $0.0e+00;
	[tilespmem:s24+$0x1400] =	vst v1;
	v1 =	vmin.f32 v2, $1.000000000e+00  }
0x5c: {  	s26 =	sor.u32 $0x180, s23;
	s24 =	sand.u32 $0x70, s25;
	s25 =	sand.u32 $0x200, s22;
	[tilespmem:s19+$0x1500] =	vst v1;
	v1 =	vmin.f32 v0, $1.000000000e+00  }
0x5d: {  	s19 =	sor.u32 s24, s25;
	v0 =	vld [tilespmem:s26+$0x0];
	[tilespmem:s18+$0x1400] =	vst v1;
	s18 =	smov.u32 s26  }
0x5e: {  	s22 =	sadd.s32 $0x40, s22;
	v1 =	vld [tilespmem:s19+$0x100]  }
.Ltmp4:
0x5f: {  	_ = 	snop;
	(pc) =	sbr.rel .LBB2_7-.Ltmp4, $1  }
0x60: {  	_ =	sdelay $0x3  }
.LBB2_2:
0x61: {  	s18 =	simm.s32 $0x0  }
0x62: {  	[tilespmem:s18], [sflag:$0x1] =	stream.linear.gather [hbm4b:s5+s18], $0xA00, $0x38;
	[tilespmem:$0x1E00] =	vst v63  }
0x63: {  	_ =	swait.ge [sflag:s12], $0xA00  }
0x64: {  	[sflag:s12] =	ssyncset.done $0x0  }
0x65: {  	[sflag:s12] =	ssyncadd.s32 $0xFFFFF600  }
0x66: {  	[tilespmem:s13], [sflag:$0x1] =	stream.linear.gather [hbm4b:s6+s18], $0xA00, $0x38;
	[tilespmem:$0x1E00] =	vst v63  }
0x67: {  	_ =	swait.ge [sflag:s12], $0xA00  }
0x68: {  	s19 =	sand.u32 $0x70, s18;
	s18 =	sand.u32 $0xE00, s18;
	[sflag:s12] =	ssyncset.done $0x0  }
0x69: {  	s19 =	sor.u32 s19, s18;
	[sflag:s12] =	ssyncadd.s32 $0xFFFFF600  }
0x6a: {  	v0 =	vld [tilespmem:s19+$0x180];
	_ =	sdelay $0x3  }
0x6b: {  	v1 =	vld [tilespmem:s19+$0x100]  }
0x6c: {  	v0 =	vmax.f32 v0, $-4.135166650e+00  }
0x6d: {  	v0 =	vmin.f32 v0, $4.135166650e+00  }
0x6e: {  	v2 =	vld [tilespmem:s19+$0xA00];
	v0 =	vmul.f32 $1.442695020e+00, v0  }
0x6f: {  	s31 =	simm.s32 $0x10;
	s20 =	simm.s32 $0x40;
	v3 =	vld [tilespmem:s19+$0xB00]  }
0x70: {  	s20 =	sand.u32 $0xE00, s20;
	s18 =	sand.u32 $0x70, s31;
	v5 =	vld [tilespmem:s19+$0xA80];
	v1 =	vmax.f32 v1, $-4.135166650e+00;
	(erf) = vpow2.f32 v0  }
0x71: {  	s18 =	sor.u32 s18, s20;
	v1 =	vmin.f32 v1, $4.135166650e+00;
	v0 =	vld [tilespmem:s19+$0xB80]  }
0x72: {  	v6 =	vld [tilespmem:s18+$0x180];
	v1 =	vmul.f32 $1.442695020e+00, v1;
	_ =	sdelay $0x1  }
0x73: {  	v7 =	vld [tilespmem:s19+$0x0];
	v4 =	vsub.f32 v3, v2;
	(erf) = vpow2.f32 v1  }
0x74: {  	v1 =	vld [tilespmem:s19+$0x80]  }
0x75: {  	v8 =	vld [tilespmem:s18+$0x100];
	v3 =	vmul.f32 $5.000000000e-01, v4;
	v9 =	vsub.f32 v0, v5  }
0x76: {  	v10 =	vld [tilespmem:s18+$0xB00];
	v6 =	vmax.f32 v6, $-4.135166650e+00  }
0x77: {  	v2 =	vadd.f32 v3, v2;
	v3 =	vmin.f32 v6, $4.135166650e+00;
	v0 =	vld [tilespmem:s18+$0xA00];
	v11 =	vmul.f32 $5.000000000e-01, v9  }
0x78: {  	v7 =	vmul.f32 v7, v4;
	v13 =	vmul.f32 $1.442695020e+00, v3;
	v12 =	vpop (erf)  }
0x79: {  	v3 =	vld [tilespmem:s18+$0x0];
	v6 =	vmul.f32 v1, v9;
	v5 =	vadd.f32 v11, v5;
	v9 =	vmul.f32 v12, v9  }
0x7a: {  	v1 =	vadd.f32 v7, v2;
	v11 =	vmax.f32 v8, $-4.135166650e+00  }
0x7b: {  	s21 =	simm.s32 $0x20;
	s20 =	simm.s32 $0x80;
	v2 =	vld [tilespmem:s18+$0xA80];
	(erf) = vpow2.f32 v13;
	v7 =	vadd.f32 v6, v5;
	v8 =	vmul.f32 $5.000000000e-01, v9  }
0x7c: {  	s23 =	sand.u32 $0x70, s21;
	s21 =	simm.s32 $0x30;
	s24 =	sand.u32 $0xE00, s20;
	v6 =	vld [tilespmem:s18+$0xB80];
	v5 =	vsub.f32 v10, v0;
	v10 =	vpop (erf);
	v9 =	vmin.f32 v11, $4.135166650e+00  }
.LBB2_3:
0x7d: {  	p1 =	sne.s32 s21, $0x270;
	s23 =	sor.u32 s23, s24;
	v9 =	vmul.f32 $1.442695020e+00, v9;
	v10 =	vmul.f32 v10, v4;
	v11 =	vadd.f32 v8, v7;
	s22 =	smov.u32 s19  }
0x7e: {  	v7 =	vsub.f32 v7, v8;
	s19 =	smov.u32 s18;
	v12 =	vld [tilespmem:s23+$0x180];
	v13 =	vmul.f32 $5.000000000e-01, v5;
	v3 =	vmul.f32 v3, v5;
	v4 =	vmovc v5;
	s18 =	smov.u32 s23  }
0x7f: {  	v5 =	vld [tilespmem:s19+$0x80];
	(erf) = vpow2.f32 v9;
	v8 =	vmul.f32 $5.000000000e-01, v10;
	v9 =	vmax.f32 v11, $0.0e+00  }
0x80: {  	v7 =	vmax.f32 v7, $0.0e+00;
	v10 =	vld [tilespmem:s18+$0x100];
	v11 =	vadd.f32 v13, v0;
	v9 =	vmin.f32 v9, $1.000000000e+00  }
0x81: {  	v7 =	vmin.f32 v7, $1.000000000e+00;
	v0 =	vld [tilespmem:s18+$0xA00];
	v6 =	vsub.f32 v6, v2;
	v13 =	vsub.f32 v1, v8;
	[tilespmem:s22+$0x1580] =	vst v9  }
0x82: {  	v14 =	vld [tilespmem:s18+$0xB00];
	[tilespmem:s22+$0x1480] =	vst v7;
	v7 =	vadd.f32 v8, v1;
	v1 =	vadd.f32 v3, v11  }
0x83: {  	v3 =	vld [tilespmem:s18+$0x0];
	v8 =	vmax.f32 v12, $-4.135166650e+00;
	v9 =	vmul.f32 $5.000000000e-01, v6;
	v11 =	vmax.f32 v13, $0.0e+00  }
.Ltmp5:
0x84: {  	v8 =	vmin.f32 v8, $4.135166650e+00;
	v5 =	vmul.f32 v5, v6;
	v12 =	vpop (erf);
	v7 =	vmax.f32 v7, $0.0e+00;
	(pc) =	sbr.rel @p1 .LBB2_3-.Ltmp5, $4  }
0x85: {  	v8 =	vmul.f32 $1.442695020e+00, v8;
	v9 =	vadd.f32 v9, v2;
	v6 =	vmul.f32 v12, v6  }
0x86: {  	v11 =	vmin.f32 v11, $1.000000000e+00;
	v13 =	vmax.f32 v10, $-4.135166650e+00;
	v12 =	vmin.f32 v7, $1.000000000e+00  }
0x87: {  	s20 =	sadd.s32 $0x40, s20;
	v2 =	vld [tilespmem:s18+$0xA80];
	(erf) = vpow2.f32 v8;
	v7 =	vadd.f32 v5, v9;
	v8 =	vmul.f32 $5.000000000e-01, v6;
	[tilespmem:s22+$0x1400] =	vst v11  }
0x88: {  	s23 =	sand.u32 $0x70, s21;
	s24 =	sand.u32 $0xE00, s20;
	s21 =	sadd.s32 $0x10, s21;
	v9 =	vmin.f32 v13, $4.135166650e+00;
	v5 =	vsub.f32 v14, v0;
	v6 =	vld [tilespmem:s18+$0xB80];
	v10 =	vpop (erf);
	[tilespmem:s22+$0x1500] =	vst v12  }
0x89: {  	s20 =	sor.u32 s23, s24  }
0x8a: {  	v12 =	vld [tilespmem:s20+$0x180]  }
0x8b: {  	v4 =	vmul.f32 v10, v4  }
0x8c: {  	v11 =	vadd.f32 v8, v7;
	v28 =	vsub.f32 v7, v8;
	v30 =	vld [tilespmem:s20+$0x100]  }
0x8d: {  	v4 =	vmul.f32 $5.000000000e-01, v4  }
0x8e: {  	v9 =	vmul.f32 $1.442695020e+00, v9;
	v29 =	vmax.f32 v11, $0.0e+00;
	v7 =	vmax.f32 v28, $0.0e+00  }
0x8f: {  	v27 =	vld [tilespmem:s18+$0x80];
	v8 =	vmin.f32 v29, $1.000000000e+00;
	v31 =	vsub.f32 v1, v4;
	v12 =	vmax.f32 v12, $-4.135166650e+00  }
0x90: {  	v13 =	vld [tilespmem:s20+$0xA00];
	(erf) = vpow2.f32 v9;
	v7 =	vmin.f32 v7, $1.000000000e+00;
	[tilespmem:s19+$0x1580] =	vst v8;
	v32 =	vmin.f32 v12, $4.135166650e+00  }
0x91: {  	v14 =	vld [tilespmem:s20+$0xB00];
	[tilespmem:s19+$0x1480] =	vst v7;
	v8 =	vmax.f32 v31, $0.0e+00;
	v11 =	vmax.f32 v30, $-4.135166650e+00;
	v7 =	vmul.f32 $1.442695020e+00, v32  }
0x92: {  	v6 =	vsub.f32 v6, v2;
	v33 =	vld [tilespmem:s20+$0x0];
	v8 =	vmin.f32 v8, $1.000000000e+00;
	v11 =	vmin.f32 v11, $4.135166650e+00  }
0x93: {  	v35 =	vadd.f32 v4, v1;
	v15 =	vld [tilespmem:s20+$0xA80];
	[tilespmem:s19+$0x1400] =	vst v8;
	v36 =	vmul.f32 $1.442695020e+00, v11;
	(erf) = vpow2.f32 v7  }
0x94: {  	v40 =	vmul.f32 $5.000000000e-01, v5;
	v34 =	vmul.f32 $5.000000000e-01, v6;
	v38 =	vld [tilespmem:s20+$0xB80]  }
0x95: {  	v1 =	vmax.f32 v35, $0.0e+00;
	v10 =	vmul.f32 v27, v6;
	v39 =	vpop (erf);
	(erf) = vpow2.f32 v36  }
0x96: {  	v1 =	vmin.f32 v1, $1.000000000e+00;
	v37 =	vadd.f32 v34, v2;
	v6 =	vmul.f32 v39, v6  }
0x97: {  	v3 =	vmul.f32 v3, v5;
	v0 =	vadd.f32 v40, v0;
	[tilespmem:s19+$0x1500] =	vst v1  }
0x98: {  	v41 =	vadd.f32 v10, v37;
	v42 =	vmul.f32 $5.000000000e-01, v6;
	v43 =	vsub.f32 v14, v13;
	v44 =	vld [tilespmem:s20+$0x80]  }
0x99: {  	v0 =	vadd.f32 v3, v0;
	v45 =	vpop (erf);
	v46 =	vsub.f32 v38, v15  }
0x9a: {  	v47 =	vmul.f32 v45, v5;
	v48 =	vadd.f32 v42, v41;
	v49 =	vmul.f32 $5.000000000e-01, v43  }
0x9b: {  	v9 =	vmul.f32 v33, v43;
	v1 =	vsub.f32 v41, v42;
	v50 =	vmul.f32 $5.000000000e-01, v46  }
0x9c: {  	v5 =	vmul.f32 $5.000000000e-01, v47;
	v7 =	vmax.f32 v48, $0.0e+00;
	v8 =	vadd.f32 v49, v13;
	v51 =	vpop (erf)  }
0x9d: {  	v6 =	vmul.f32 v44, v46;
	v2 =	vadd.f32 v50, v15;
	v3 =	vmul.f32 v51, v46  }
0x9e: {  	v1 =	vmax.f32 v1, $0.0e+00;
	v7 =	vmin.f32 v7, $1.000000000e+00;
	v52 =	vsub.f32 v0, v5;
	v53 =	vpop (erf)  }
0x9f: {  	v2 =	vadd.f32 v6, v2;
	v4 =	vmul.f32 v53, v43;
	v3 =	vmul.f32 $5.000000000e-01, v3  }
0xa0: {  	v1 =	vmin.f32 v1, $1.000000000e+00;
	v54 =	vadd.f32 v9, v8;
	v0 =	vadd.f32 v5, v0  }
0xa1: {  	[tilespmem:s18+$0x1580] =	vst v7;
	v55 =	vmax.f32 v52, $0.0e+00;
	v4 =	vmul.f32 $5.000000000e-01, v4;
	v56 =	vadd.f32 v3, v2  }
0xa2: {  	[tilespmem:s18+$0x1480] =	vst v1;
	v0 =	vmax.f32 v0, $0.0e+00;
	v57 =	vmin.f32 v55, $1.000000000e+00;
	v2 =	vsub.f32 v2, v3  }
0xa3: {  	v0 =	vmin.f32 v0, $1.000000000e+00;
	[tilespmem:s18+$0x1400] =	vst v57;
	v59 =	vsub.f32 v54, v4;
	v58 =	vmax.f32 v56, $0.0e+00  }
0xa4: {  	[tilespmem:s18+$0x1500] =	vst v0;
	v61 =	vadd.f32 v4, v54;
	v60 =	vmax.f32 v2, $0.0e+00;
	v1 =	vmin.f32 v58, $1.000000000e+00  }
0xa5: {  	v0 =	vmin.f32 v60, $1.000000000e+00;
	v62 =	vmax.f32 v59, $0.0e+00;
	[tilespmem:s20+$0x1580] =	vst v1  }
0xa6: {  	v63 =	vmax.f32 v61, $0.0e+00;
	[tilespmem:s20+$0x1480] =	vst v0;
	v1 =	vmin.f32 v62, $1.000000000e+00  }
0xa7: {  	v0 =	vmin.f32 v63, $1.000000000e+00;
	[tilespmem:s20+$0x1400] =	vst v1  }
.Ltmp6:
0xa8: {  	[tilespmem:s20+$0x1500] =	vst v0;
	(pc) =	sbr.rel .LBB2_8-.Ltmp6, $4  }
0xa9: {  	[hbm4b:s7+s3] =	stream.linear.scatter [tilespmem:s16], [sflag:$0x1], $0xA00, $0x38;
	[tilespmem:$0x1E00] =	vst v63  }
0xaa: {  	_ =	swait.ge [sflag:s12], $0xA00  }
0xab: {  	[sflag:s12] =	ssyncset.done $0x0  }
0xac: {  	[sflag:s12] =	ssyncadd.s32 $0xFFFFF600  }
.LBB2_9:
0xad: {  	_ =	sfence.sel $0x180000  }
0xae: {  	[bflag:$0x0] =	sbarrier.arrive $0xFFFF  }
0xaf: {  	p0 =	sne.s32 s0, $0x0;
	_ =	strace $0x90000047  }
0xb0: {  	s0 =	sadd.s32 @!p0 $0x100000, s2;
	[bflag:$0x2] =	sbarrier.arrive $0xFFFF  }
0xb1: {  	[sflag:s0] =	ssyncadd.tile.s32 @!p0 $0x1;
	_ =	shalt  }
.Lfunc_end2:
_tile_overlayer_lowered:
.L_overlay_start_2:
0xb2: {  	(tag) =	ssettag $0x2  }
0xb3: {  	s0 =	rddreg [dreg:$0x0];
	s2 =	stileid.u32  }
0xb4: {  	s1 =	rddreg [dreg:$0x1];
	p0 =	sne.s32 s2, $0x0  }
0xb5: {  	s3 =	rddreg [dreg:$0x2];
	[bflag:$0x3] =	sbarrier.arrive $0xFFFF;
	s2 =	simm.s32 @!p0 $0x1C01  }
0xb6: {  	[timem:s3], [sflag:s2] =	dma.local @!p0 [hbm:s0], s1  }
0xb7: {  	s0 =	simm.s32 @!p0 $0x1  }
0xb8: {  	_ =	swait.ge @!p0 [sflag:s0], s1  }
0xb9: {  	s1 =	ssub.s32 @!p0 $0x0, s1;
	[sflag:s0] =	ssyncset.done @!p0 $0x0  }
0xba: {  	[sflag:s0] =	ssyncadd.s32 @!p0 s1  }
0xbb: {  	[bflag:$0x3] =	sbarrier.arrive $0xFFFF  }
0xbc: {  	_ =	shalt  }

</sc_bundles>
